<compile_context>
chip_gen: v7x
topology: tpu7x:2x2x1
jax: 0.10.2.dev20260603
libtpu: 0.0.44.dev20260713+nightly
codegen_flags: <defaults>
</compile_context>

<pallas_src>
import functools

import jax
import jax.numpy as jnp
from jax import lax
from jax.experimental import pallas as pl
from jax.experimental.pallas import tpu as pltpu
from jax.experimental.pallas import tpu_sc as plsc

NUM_CLASSES = 21
TOP_K = 200
VAR0 = 0.1
VAR1 = 0.2
CONF_THRESH = 0.95
NMS_THRESH = 0.45
BATCH = 4
NUM_PRIORS = 20000

L = 16
NW = 32
NBLK = BATCH * NUM_CLASSES
BLK_PER_W = (NBLK + NW - 1) // NW
NCHUNK_P = NUM_PRIORS // L
TK_PAD = 208
NCHUNK_T = TK_PAD // L
OUT_ROW = TOP_K * 5
OUT_PAD = 1008
NEG_INF = float("-inf")


def _detect_sc(conf_t, loc_t, pri_t):
    mesh = plsc.VectorSubcoreMesh(core_axis_name="c", subcore_axis_name="s",
                                  num_cores=2, num_subcores=16)

    @functools.partial(
        pl.kernel,
        out_type=jax.ShapeDtypeStruct((NBLK, OUT_ROW), jnp.float32),
        mesh=mesh,
        scratch_types=[
            pltpu.VMEM((NUM_PRIORS,), jnp.float32),
            pltpu.VMEM((NUM_PRIORS,), jnp.float32),
            pltpu.VMEM((NUM_PRIORS,), jnp.int32),
            pltpu.VMEM((NUM_PRIORS,), jnp.int32),
            pltpu.VMEM((TK_PAD,), jnp.float32),
            pltpu.VMEM((TK_PAD,), jnp.int32),
            pltpu.VMEM((8 * TK_PAD,), jnp.float32),
            pltpu.VMEM((TK_PAD,), jnp.float32),
            pltpu.VMEM((TK_PAD,), jnp.float32),
            pltpu.VMEM((TK_PAD,), jnp.float32),
            pltpu.VMEM((TK_PAD,), jnp.float32),
            pltpu.VMEM((TK_PAD,), jnp.float32),
            pltpu.VMEM((TK_PAD,), jnp.int32),
            pltpu.VMEM((OUT_PAD,), jnp.float32),
            pltpu.VMEM((NUM_PRIORS,), jnp.float32),
            pltpu.SemaphoreType.DMA,
            pltpu.SemaphoreType.DMA,
        ],
        compiler_params=pltpu.CompilerParams(use_tc_tiling_on_sc=False,
                                             needs_layout_passes=False),
    )
    def k(conf_hbm, loct_hbm, prit_hbm, out_hbm,
          scores_v, cand_s, cand_i, cand2_i, top_s, top_i, gbuf,
          bx1, by1, bx2, by2, bar, supp, out_buf, stage_b, sem_a, sem_b):
        wid = lax.axis_index("s") * 2 + lax.axis_index("c")
        iota = lax.iota(jnp.int32, L)
        fzero = jnp.zeros((L,), jnp.float32)
        izero = jnp.zeros((L,), jnp.int32)

        def do_block(b, _):
            pb = wid + NW * b

            @pl.when(pb < NBLK)
            def _():
                img = pb // NUM_CLASSES
                cls = pb % NUM_CLASSES

                def zb(c, _c):
                    out_buf[pl.ds(c * L, L)] = fzero
                    return 0
                lax.fori_loop(0, OUT_PAD // L, zb, 0)

                @pl.when(cls > 0)
                def _():
                    pltpu.sync_copy(conf_hbm.at[pb], scores_v)

                    def comp(c, cur):
                        s1 = scores_v[pl.ds(2 * c * L, L)]
                        s2 = scores_v[pl.ds((2 * c + 1) * L, L)]
                        m1 = s1 > CONF_THRESH
                        m2 = s2 > CONF_THRESH
                        c1 = plsc.all_reduce_population_count(m1)
                        c2 = plsc.all_reduce_population_count(m2)
                        d1 = cur + plsc.cumsum(m1.astype(jnp.int32)) - 1
                        d2 = cur + c1 + plsc.cumsum(m2.astype(jnp.int32)) - 1
                        plsc.store_scatter(cand_s, [d1], s1, mask=m1)
                        plsc.store_scatter(cand_i, [d1], 2 * c * L + iota,
                                           mask=m1)
                        plsc.store_scatter(cand_s, [d2], s2, mask=m2)
                        plsc.store_scatter(cand_i, [d2],
                                           (2 * c + 1) * L + iota, mask=m2)
                        return cur + c1 + c2
                    nvec = lax.fori_loop(0, NCHUNK_P // 2, comp, izero)
                    n = jnp.max(nvec)
                    padi = jnp.minimum(nvec + iota, NUM_PRIORS - 1)
                    plsc.store_scatter(
                        cand_s, [padi],
                        jnp.full((L,), NEG_INF, jnp.float32),
                        mask=(nvec + iota) < NUM_PRIORS)
                    nchunks = (n + L - 1) // L
                    nb = jnp.full((L,), n, jnp.int32)

                    def count_gt(tv):
                        def cb(c, acc):
                            s = cand_s[pl.ds(c * L, L)]
                            m = s > tv
                            return acc + plsc.all_reduce_population_count(m)
                        return lax.fori_loop(0, nchunks, cb, izero)

                    def bis(_i, carry):
                        lo, hi = carry
                        mid = (lo + hi) * 0.5
                        cgt = count_gt(mid)
                        big = cgt >= TOP_K
                        return (jnp.where(big, mid, lo),
                                jnp.where(big, hi, mid))
                    lo_v, _hi = lax.fori_loop(
                        0, 24, bis,
                        (jnp.full((L,), CONF_THRESH, jnp.float32),
                         jnp.full((L,), 1.0, jnp.float32)))

                    def comp2(c, cur):
                        s = cand_s[pl.ds(c * L, L)]
                        m = s > lo_v
                        pref = plsc.cumsum(m.astype(jnp.int32))
                        dest = cur + pref - 1
                        plsc.store_scatter(scores_v, [dest], s, mask=m)
                        ci = cand_i[pl.ds(c * L, L)]
                        plsc.store_scatter(cand2_i, [dest], ci, mask=m)
                        return cur + plsc.all_reduce_population_count(m)
                    n2vec = lax.fori_loop(0, nchunks, comp2, izero)
                    n2 = jnp.max(n2vec)
                    n2chunks = (n2 + L - 1) // L
                    padi2 = jnp.minimum(n2vec + iota, NUM_PRIORS - 1)
                    plsc.store_scatter(
                        scores_v, [padi2],
                        jnp.full((L,), NEG_INF, jnp.float32),
                        mask=(n2vec + iota) < NUM_PRIORS)

                    def ext(t, _c):
                        def scan(c, carry):
                            bs, bp = carry
                            s = scores_v[pl.ds(c * L, L)]
                            posv = c * L + iota
                            better = s >= bs
                            return (jnp.where(better, s, bs),
                                    jnp.where(better, posv, bp))
                        bs, bp = lax.fori_loop(
                            0, n2chunks, scan,
                            (jnp.full((L,), NEG_INF, jnp.float32), izero))
                        smax = jnp.max(bs)
                        smax_v = jnp.full((L,), smax, jnp.float32)
                        pm = jnp.max(jnp.where(bs == smax_v, bp, -1))
                        pm = jnp.maximum(pm, 0)
                        pm_v = jnp.full((L,), pm, jnp.int32)
                        iorig = plsc.load_gather(cand2_i, [pm_v])
                        t_v = jnp.full((L,), t, jnp.int32)
                        lane0 = iota == 0
                        plsc.store_scatter(top_s, [t_v], smax_v, mask=lane0)
                        plsc.store_scatter(top_i, [t_v], iorig, mask=lane0)
                        plsc.store_scatter(
                            scores_v, [pm_v],
                            jnp.full((L,), NEG_INF, jnp.float32), mask=lane0)
                        return 0
                    lax.fori_loop(0, TOP_K, ext, 0)

                    bufs = (scores_v, stage_b)
                    sems = (sem_a, sem_b)

                    def col_src(j):
                        if j < 4:
                            return loct_hbm.at[img * 4 + j]
                        return prit_hbm.at[j - 4]

                    cps = {0: pltpu.async_copy(col_src(0), bufs[0], sems[0])}
                    for j in range(8):
                        if j < 7:
                            cps[j + 1] = pltpu.async_copy(
                                col_src(j + 1), bufs[(j + 1) % 2],
                                sems[(j + 1) % 2])
                        cps[j].wait()
                        buf = bufs[j % 2]

                        def gl(c, _c, j=j, buf=buf):
                            ti = top_i[pl.ds(c * L, L)]
                            tic = jnp.clip(ti, 0, NUM_PRIORS - 1)
                            v = plsc.load_gather(buf, [tic])
                            gbuf[pl.ds(j * TK_PAD + c * L, L)] = v
                            return 0
                        lax.fori_loop(0, NCHUNK_T, gl, 0)

                    def dec(c, _c):
                        sl = pl.ds(c * L, L)
                        lx = gbuf[pl.ds(0 * TK_PAD + c * L, L)]
                        ly = gbuf[pl.ds(1 * TK_PAD + c * L, L)]
                        lw = gbuf[pl.ds(2 * TK_PAD + c * L, L)]
                        lh = gbuf[pl.ds(3 * TK_PAD + c * L, L)]
                        px = gbuf[pl.ds(4 * TK_PAD + c * L, L)]
                        py = gbuf[pl.ds(5 * TK_PAD + c * L, L)]
                        pw = gbuf[pl.ds(6 * TK_PAD + c * L, L)]
                        ph = gbuf[pl.ds(7 * TK_PAD + c * L, L)]
                        cx = px + lx * VAR0 * pw
                        cy = py + ly * VAR0 * ph
                        w = pw * jnp.exp(lw * VAR1)
                        h = ph * jnp.exp(lh * VAR1)
                        x1 = cx - w / 2.0
                        y1 = cy - h / 2.0
                        x2 = w + x1
                        y2 = h + y1
                        bx1[sl] = x1
                        by1[sl] = y1
                        bx2[sl] = x2
                        by2[sl] = y2
                        bar[sl] = (x2 - x1) * (y2 - y1)
                        supp[sl] = izero
                        return 0
                    lax.fori_loop(0, NCHUNK_T, dec, 0)

                    def nms(t, cnt):
                        t_v = jnp.full((L,), t, jnp.int32)
                        s_t = plsc.load_gather(top_s, [t_v])
                        sp_t = plsc.load_gather(supp, [t_v])
                        x1t = plsc.load_gather(bx1, [t_v])
                        y1t = plsc.load_gather(by1, [t_v])
                        x2t = plsc.load_gather(bx2, [t_v])
                        y2t = plsc.load_gather(by2, [t_v])
                        art = plsc.load_gather(bar, [t_v])
                        take = (s_t > CONF_THRESH) & (sp_t == 0)

                        vals = jnp.where(
                            iota == 0, s_t,
                            jnp.where(iota == 1, x1t,
                                      jnp.where(iota == 2, y1t,
                                                jnp.where(iota == 3, x2t,
                                                          y2t))))
                        dest = jnp.minimum(cnt * 5 + iota, OUT_PAD - 1)
                        plsc.store_scatter(
                            out_buf, [dest], vals,
                            mask=take & (iota < 5))
                        cnt_new = cnt + jnp.where(take, 1, 0)

                        def sb(c, _c):
                            sl = pl.ds(c * L, L)
                            posv = c * L + iota
                            xx1 = jnp.maximum(bx1[sl], x1t)
                            yy1 = jnp.maximum(by1[sl], y1t)
                            xx2 = jnp.minimum(bx2[sl], x2t)
                            yy2 = jnp.minimum(by2[sl], y2t)
                            w = jnp.maximum(xx2 - xx1, 0.0)
                            h = jnp.maximum(yy2 - yy1, 0.0)
                            inter = w * h
                            union = bar[sl] + art - inter
                            iou = inter / union
                            cond = take & (posv > t_v) & jnp.logical_not(
                                iou <= NMS_THRESH)
                            supp[sl] = jnp.where(cond, 1, supp[sl])
                            return 0
                        lax.fori_loop(t // L, NCHUNK_T, sb, 0)
                        return cnt_new
                    lax.fori_loop(0, TOP_K, nms, izero)

                pltpu.sync_copy(out_buf.at[pl.ds(0, OUT_ROW)], out_hbm.at[pb])
            return 0

        lax.fori_loop(0, BLK_PER_W, do_block, 0)

    return k(conf_t, loc_t, pri_t)


def kernel(loc, conf, priors):
    loc = jax.lax.stop_gradient(loc)
    conf = jax.lax.stop_gradient(conf)
    priors = jax.lax.stop_gradient(priors)
    conf_t = conf.transpose(0, 2, 1).reshape(NBLK, NUM_PRIORS)
    loc_t = loc.transpose(0, 2, 1).reshape(BATCH * 4, NUM_PRIORS)
    pri_t = priors.transpose(1, 0)
    out = _detect_sc(conf_t, loc_t, pri_t)
    return out.reshape(BATCH, NUM_CLASSES, TOP_K, 5)

# --- scband reference (transcript-rebuilt; emitter-appended) ---
"""Pipeline reference for scband-detect-72232759984313 (READ-ONLY COPY).

The authoritative reference and input builder live on the scoring server;
editing this copy changes nothing except your own understanding.
"""

import jax, jax.numpy as jnp
import numpy as np

NUM_CLASSES = 21
TOP_K = 200
VARIANCES = (0.1, 0.2)
CONF_THRESH = 0.95
NMS_THRESH = 0.45
BATCH = 4
NUM_PRIORS = 20000

def decode(loc, priors, variances):
    boxes = jnp.concatenate([
        priors[:, :2] + loc[:, :2] * variances[0] * priors[:, 2:],
        priors[:, 2:] * jnp.exp(loc[:, 2:] * variances[1])], axis=1)
    xy = boxes[:, :2] - boxes[:, 2:] / 2.0
    br = boxes[:, 2:] + xy
    return jnp.concatenate([xy, br], axis=1)

def nms(boxes, scores, overlap, top_k):
    boxes = np.asarray(boxes); scores = np.asarray(scores)
    keep = np.zeros((scores.shape[0],), dtype=np.int64)
    x1, y1, x2, y2 = boxes[:, 0], boxes[:, 1], boxes[:, 2], boxes[:, 3]
    area = (x2 - x1) * (y2 - y1)
    idx = np.argsort(scores, kind='stable')
    idx = idx[-top_k:]
    count = 0
    while idx.size > 0:
        i = idx[-1]
        keep[count] = i
        count += 1
        idx = idx[:-1]
        if idx.size == 0:
            break
        xx1 = np.maximum(x1[idx], x1[i])
        yy1 = np.maximum(y1[idx], y1[i])
        xx2 = np.minimum(x2[idx], x2[i])
        yy2 = np.minimum(y2[idx], y2[i])
        w = np.clip(xx2 - xx1, 0.0, None)
        h = np.clip(yy2 - yy1, 0.0, None)
        inter = w * h
        union = area[idx] + area[i] - inter
        iou = inter / union
        idx = idx[iou <= overlap]
    return keep, count

def detect_forward(loc, conf, priors):
    loc_data = jax.lax.stop_gradient(loc)
    conf_data = jax.lax.stop_gradient(conf)
    prior_data = jax.lax.stop_gradient(priors)
    num = loc_data.shape[0]
    num_priors = prior_data.shape[0]
    conf_preds = conf_data.reshape(num, num_priors, NUM_CLASSES).transpose(0, 2, 1)

    def nms_fixed(scores_row, decoded):
        valid = scores_row > CONF_THRESH
        masked = jnp.where(valid, scores_row, -jnp.inf)
        order = jnp.argsort(masked, stable=True)
        top = order[-TOP_K:]
        topb = decoded[top]
        tops = scores_row[top]
        topv = valid[top]
        x1, y1, x2, y2 = topb[:, 0], topb[:, 1], topb[:, 2], topb[:, 3]
        area = (x2 - x1) * (y2 - y1)
        pos = jnp.arange(TOP_K)

        def body(t, carry):
            suppressed, count, out = carry
            j = TOP_K - 1 - t
            take = topv[j] & jnp.logical_not(suppressed[j])
            xx1 = jnp.maximum(x1, x1[j])
            yy1 = jnp.maximum(y1, y1[j])
            xx2 = jnp.minimum(x2, x2[j])
            yy2 = jnp.minimum(y2, y2[j])
            w = jnp.clip(xx2 - xx1, 0.0, None)
            h = jnp.clip(yy2 - yy1, 0.0, None)
            inter = w * h
            union = area + area[j] - inter
            iou = inter / union
            supp_new = suppressed | (take & (pos < j) & jnp.logical_not(iou <= NMS_THRESH))
            row = jnp.concatenate([tops[j][None], topb[j]])
            out_new = jnp.where(take, out.at[count].set(row), out)
            count_new = count + take.astype(jnp.int32)
            return supp_new, count_new, out_new

        init = (jnp.zeros((TOP_K,), dtype=bool),
                jnp.int32(0),
                jnp.zeros((TOP_K, 5), dtype=jnp.float32))
        _, _, out = jax.lax.fori_loop(0, TOP_K, body, init)
        return out

    def per_image(loc_i, conf_scores):
        decoded = decode(loc_i, prior_data, VARIANCES)
        outs = jax.vmap(lambda s: nms_fixed(s, decoded))(conf_scores[1:])
        zero = jnp.zeros((1, TOP_K, 5), dtype=jnp.float32)
        return jnp.concatenate([zero, outs], axis=0)

    output = jax.vmap(per_image)(loc_data, conf_preds)
    return output

def setup_inputs(seed: int = 0):
    key = jax.random.key(seed)
    k1, k2, k3 = jax.random.split(key, 3)
    loc = jax.random.normal(k1, (BATCH, NUM_PRIORS, 4), dtype=jnp.float32) * 0.1
    conf = jax.random.uniform(k2, (BATCH, NUM_PRIORS, NUM_CLASSES), dtype=jnp.float32)
    priors = jax.random.uniform(k3, (NUM_PRIORS, 4), dtype=jnp.float32)
    priors = priors.at[:, 2:].set(priors[:, 2:] * 0.2 + 0.01)
    return {"loc": loc, "conf": conf, "priors": priors}

def reference(loc, conf, priors):
    return detect_forward(loc, conf, priors)

if __name__ == "__main__":
    import jax
    _d = setup_inputs()
    print(jax.jit(kernel)(*tuple(_d.values())))

</pallas_src>

<mosaic_0001>
#map = affine_map<(d0, d1) -> (0, 0)>
module attributes {stable_mosaic.version = 14 : i64} {
  func.func @k(%arg0: i32, %arg1: i32, %arg2: memref<84x20000xf32, #tpu.memory_space<hbm>>, %arg3: memref<16x20000xf32, #tpu.memory_space<hbm>>, %arg4: memref<4x20000xf32, #tpu.memory_space<hbm>>, %arg5: memref<84x1000xf32, #tpu.memory_space<hbm>>, %arg6: memref<20000xf32, #tpu.memory_space<vmem>>, %arg7: memref<20000xf32, #tpu.memory_space<vmem>>, %arg8: memref<20000xi32, #tpu.memory_space<vmem>>, %arg9: memref<20000xi32, #tpu.memory_space<vmem>>, %arg10: memref<208xf32, #tpu.memory_space<vmem>>, %arg11: memref<208xi32, #tpu.memory_space<vmem>>, %arg12: memref<1664xf32, #tpu.memory_space<vmem>>, %arg13: memref<208xf32, #tpu.memory_space<vmem>>, %arg14: memref<208xf32, #tpu.memory_space<vmem>>, %arg15: memref<208xf32, #tpu.memory_space<vmem>>, %arg16: memref<208xf32, #tpu.memory_space<vmem>>, %arg17: memref<208xf32, #tpu.memory_space<vmem>>, %arg18: memref<208xi32, #tpu.memory_space<vmem>>, %arg19: memref<1008xf32, #tpu.memory_space<vmem>>, %arg20: memref<20000xf32, #tpu.memory_space<vmem>>, %arg21: memref<!tpu.dma_semaphore, #tpu.memory_space<semaphore_mem>>, %arg22: memref<!tpu.dma_semaphore, #tpu.memory_space<semaphore_mem>>) attributes {dimension_semantics = [#tpu.dimension_semantics<core_parallel>, #tpu.dimension_semantics<subcore_parallel>], iteration_bounds = array<i64: 2, 16>, scalar_prefetch = 0 : i64, scratch_operands = 17 : i64, tpu.core_type = #tpu.core_type<sc_vector_subcore>, window_params = [{transform_indices = #map}, {transform_indices = #map}, {transform_indices = #map}, {transform_indices = #map}]} {
    %mul3A = arith.constant 2 : i32
    %mul3A_0 = arith.muli %arg1, %mul3A : i32
    %add3A = arith.addi %mul3A_0, %arg0 : i32
    %iota3A = tpu.iota {dimensions = array<i32: 0>} : vector<16xi32>
    %broadcast_in_dim3A = arith.constant 0.000000e+00 : f32
    %broadcast_in_dim3A_1 = vector.broadcast %broadcast_in_dim3A : f32 to vector<16xf32>
    %broadcast_in_dim3A_2 = arith.constant 0 : i32
    %broadcast_in_dim3A_3 = vector.broadcast %broadcast_in_dim3A_2 : i32 to vector<16xi32>
    %scan3A = arith.constant 0 : i32
    %scan3A_4 = arith.constant 0 : i32
    %scan3A_5 = arith.constant 3 : i32
    %scan3A_6 = arith.addi %scan3A_4, %scan3A_5 : i32
    %scan3A_7 = arith.constant 1 : i32
    %scan3A_8 = scf.for %scan3A_10 = %scan3A_4 to %scan3A_6 step %scan3A_7 iter_args(%scan3A_11 = %scan3A) -> (i32)  : i32 {
      %mul3A_12 = arith.constant 32 : i32
      %mul3A_13 = arith.muli %mul3A_12, %scan3A_10 : i32
      %add3A_14 = arith.addi %add3A, %mul3A_13 : i32
      %lt3A = arith.constant 84 : i32
      %lt3A_15 = arith.cmpi slt, %add3A_14, %lt3A : i32
      %convert_element_type3A = arith.extui %lt3A_15 : i1 to i32
      %cond3A = arith.constant 0 : i32
      %cond3A_16 = arith.cmpi ne, %convert_element_type3A, %cond3A : i32
      scf.if %cond3A_16 {
        %jit3A = arith.constant 21 : i32
        %div3A = arith.divsi %add3A_14, %jit3A : i32
        %sign3A = arith.constant 0 : i32
        %sign3A_18 = arith.cmpi sgt, %add3A_14, %sign3A : i32
        %sign3A_19 = arith.extui %sign3A_18 : i1 to i32
        %sign3A_20 = arith.constant 0 : i32
        %sign3A_21 = arith.cmpi slt, %add3A_14, %sign3A_20 : i32
        %sign3A_22 = arith.extui %sign3A_21 : i1 to i32
        %sign3A_23 = arith.subi %sign3A_19, %sign3A_22 : i32
        %sign3A_24 = arith.constant 0 : i32
        %sign3A_25 = arith.cmpi sgt, %jit3A, %sign3A_24 : i32
        %sign3A_26 = arith.extui %sign3A_25 : i1 to i32
        %sign3A_27 = arith.constant 0 : i32
        %sign3A_28 = arith.cmpi slt, %jit3A, %sign3A_27 : i32
        %sign3A_29 = arith.extui %sign3A_28 : i1 to i32
        %sign3A_30 = arith.subi %sign3A_26, %sign3A_29 : i32
        %ne3A = arith.cmpi ne, %sign3A_23, %sign3A_30 : i32
        %rem3A = arith.remsi %add3A_14, %jit3A : i32
        %ne3A_31 = arith.constant 0 : i32
        %ne3A_32 = arith.cmpi ne, %rem3A, %ne3A_31 : i32
        %and3A = arith.andi %ne3A, %ne3A_32 : i1
        %sub3A = arith.constant 1 : i32
        %sub3A_33 = arith.subi %div3A, %sub3A : i32
        %select_n3A = arith.select %and3A, %sub3A_33, %div3A : i32
        %jit3A_34 = arith.constant 21 : i32
        %eq3A = arith.constant 0 : i32
        %eq3A_35 = arith.cmpi eq, %jit3A_34, %eq3A : i32
        %jit3A_36 = arith.constant 1 : i32
        %select_n3A_37 = arith.select %eq3A_35, %jit3A_36, %jit3A_34 : i32
        %rem3A_38 = arith.remsi %add3A_14, %select_n3A_37 : i32
        %ne3A_39 = arith.constant 0 : i32
        %ne3A_40 = arith.cmpi ne, %rem3A_38, %ne3A_39 : i32
        %lt3A_41 = arith.constant 0 : i32
        %lt3A_42 = arith.cmpi slt, %rem3A_38, %lt3A_41 : i32
        %lt3A_43 = arith.constant 0 : i32
        %lt3A_44 = arith.cmpi slt, %select_n3A_37, %lt3A_43 : i32
        %ne3A_45 = arith.xori %lt3A_42, %lt3A_44 : i1
        %and3A_46 = arith.andi %ne3A_45, %ne3A_40 : i1
        %add3A_47 = arith.addi %rem3A_38, %select_n3A_37 : i32
        %select_n3A_48 = arith.select %and3A_46, %add3A_47, %rem3A_38 : i32
        %scan3A_49 = arith.constant 0 : i32
        %scan3A_50 = arith.constant 0 : i32
        %scan3A_51 = arith.constant 63 : i32
        %scan3A_52 = arith.addi %scan3A_50, %scan3A_51 : i32
        %scan3A_53 = arith.constant 1 : i32
        %scan3A_54 = scf.for %scan3A_60 = %scan3A_50 to %scan3A_52 step %scan3A_53 iter_args(%scan3A_61 = %scan3A_49) -> (i32)  : i32 {
          %mul3A_62 = arith.constant 16 : i32
          %mul3A_63 = arith.muli %scan3A_60, %mul3A_62 : i32
          %swap3A = arith.index_cast %mul3A_63 : i32 to index
          %swap3A_64 = tpu.vector_load %arg19[%swap3A] {strides = array<i32>} : memref<1008xf32, #tpu.memory_space<vmem>>, vector<16xf32>,
          tpu.vector_store %arg19[%swap3A], %broadcast_in_dim3A_1 {strides = array<i32>} : memref<1008xf32, #tpu.memory_space<vmem>>, vector<16xf32>,
          %scan3A_65 = arith.constant 0 : i32
          scf.yield %scan3A_65 : i32
        }
        %scan3A_55 = arith.constant 63 : i32
        %gt3A = arith.constant 0 : i32
        %gt3A_56 = arith.cmpi sgt, %select_n3A_48, %gt3A : i32
        %convert_element_type3A_57 = arith.extui %gt3A_56 : i1 to i32
        %cond3A_58 = arith.constant 0 : i32
        %cond3A_59 = arith.cmpi ne, %convert_element_type3A_57, %cond3A_58 : i32
        scf.if %cond3A_59 {
          "tpu.region"() ({
            %run_scoped3A = tpu.sem_alloc : memref<!tpu.dma_semaphore, #tpu.memory_space<semaphore_mem>>
            %dma_start3A_371 = arith.constant 0 : i32
            %dma_start3A_372 = tpu.memref_slice %arg2[%add3A_14, %dma_start3A_371] : memref<84x20000xf32, #tpu.memory_space<hbm>> -> memref<1x20000xf32, #tpu.memory_space<hbm>>
            %dma_start3A_373 = tpu.memref_squeeze %dma_start3A_372 : memref<1x20000xf32, #tpu.memory_space<hbm>> -> memref<20000xf32, #tpu.memory_space<hbm>>
            %dma_start3A_374 = arith.constant 0 : i32
            %dma_start3A_375 = tpu.memref_slice %arg2[%add3A_14, %dma_start3A_374] : memref<84x20000xf32, #tpu.memory_space<hbm>> -> memref<1x20000xf32, #tpu.memory_space<hbm>>
            %dma_start3A_376 = tpu.memref_squeeze %dma_start3A_375 : memref<1x20000xf32, #tpu.memory_space<hbm>> -> memref<20000xf32, #tpu.memory_space<hbm>>
            tpu.enqueue_dma source(%dma_start3A_376 : memref<20000xf32, #tpu.memory_space<hbm>>) target(%arg6 : memref<20000xf32, #tpu.memory_space<vmem>>) target_semaphore(%run_scoped3A : memref<!tpu.dma_semaphore, #tpu.memory_space<semaphore_mem>>)
            %dma_wait3A_377 = arith.constant 0 : i32
            %dma_wait3A_378 = tpu.memref_slice %arg2[%add3A_14, %dma_wait3A_377] : memref<84x20000xf32, #tpu.memory_space<hbm>> -> memref<1x20000xf32, #tpu.memory_space<hbm>>
            %dma_wait3A_379 = tpu.memref_squeeze %dma_wait3A_378 : memref<1x20000xf32, #tpu.memory_space<hbm>> -> memref<20000xf32, #tpu.memory_space<hbm>>
            %dma_wait3A_380 = arith.constant 0 : i32
            %dma_wait3A_381 = tpu.memref_slice %arg2[%add3A_14, %dma_wait3A_380] : memref<84x20000xf32, #tpu.memory_space<hbm>> -> memref<1x20000xf32, #tpu.memory_space<hbm>>
            %dma_wait3A_382 = tpu.memref_squeeze %dma_wait3A_381 : memref<1x20000xf32, #tpu.memory_space<hbm>> -> memref<20000xf32, #tpu.memory_space<hbm>>
            tpu.wait_dma2 semaphore(%run_scoped3A : memref<!tpu.dma_semaphore, #tpu.memory_space<semaphore_mem>>) src(%dma_wait3A_382 : memref<20000xf32, #tpu.memory_space<hbm>>) dst(%arg6 : memref<20000xf32, #tpu.memory_space<vmem>>)
            tpu.yield
          }) : () -> ()
          %scan3A_60 = arith.constant 0 : i32
          %scan3A_61 = arith.constant 625 : i32
          %scan3A_62 = arith.addi %scan3A_60, %scan3A_61 : i32
          %scan3A_63 = arith.constant 1 : i32
          %scan3A_64 = scf.for %scan3A_371 = %scan3A_60 to %scan3A_62 step %scan3A_63 iter_args(%scan3A_372 = %broadcast_in_dim3A_3) -> (vector<16xi32>)  : i32 {
            %mul3A_373 = arith.constant 2 : i32
            %mul3A_374 = arith.muli %mul3A_373, %scan3A_371 : i32
            %mul3A_375 = arith.constant 16 : i32
            %mul3A_376 = arith.muli %mul3A_374, %mul3A_375 : i32
            %get3A = arith.index_cast %mul3A_376 : i32 to index
            %get3A_377 = tpu.vector_load %arg6[%get3A] {strides = array<i32>} : memref<20000xf32, #tpu.memory_space<vmem>>, vector<16xf32>,
            %mul3A_378 = arith.constant 2 : i32
            %mul3A_379 = arith.muli %mul3A_378, %scan3A_371 : i32
            %add3A_380 = arith.constant 1 : i32
            %add3A_381 = arith.addi %mul3A_379, %add3A_380 : i32
            %mul3A_382 = arith.constant 16 : i32
            %mul3A_383 = arith.muli %add3A_381, %mul3A_382 : i32
            %get3A_384 = arith.index_cast %mul3A_383 : i32 to index
            %get3A_385 = tpu.vector_load %arg6[%get3A_384] {strides = array<i32>} : memref<20000xf32, #tpu.memory_space<vmem>>, vector<16xf32>,
            %gt3A_386 = arith.constant 0.949999988 : f32
            %gt3A_387 = vector.broadcast %gt3A_386 : f32 to vector<16xf32>
            %gt3A_388 = arith.cmpf ogt, %get3A_377, %gt3A_387 : vector<16xf32>
            %gt3A_389 = arith.constant 0.949999988 : f32
            %gt3A_390 = vector.broadcast %gt3A_389 : f32 to vector<16xf32>
            %gt3A_391 = arith.cmpf ogt, %get3A_385, %gt3A_390 : vector<16xf32>
            %all_reduce_population_count3A = tpu.all_reduce %gt3A_388 {dim = 0 : i64, kind = #tpu.reduction_kind<sum>} : vector<16xi1> -> vector<16xi32>
            %all_reduce_population_count3A_392 = tpu.all_reduce %gt3A_391 {dim = 0 : i64, kind = #tpu.reduction_kind<sum>} : vector<16xi1> -> vector<16xi32>
            %convert_element_type3A_393 = arith.extui %gt3A_388 : vector<16xi1> to vector<16xi32>
            %broadcast_in_dim3A_394 = arith.constant true
            %broadcast_in_dim3A_395 = vector.broadcast %broadcast_in_dim3A_394 : i1 to vector<16xi1>
            %masked_cumsum3A = tpu.scan <sum>, %convert_element_type3A_393 masked %broadcast_in_dim3A_395 : vector<16xi32>, vector<16xi1> -> vector<16xi32>
            %add3A_396 = arith.addi %scan3A_372, %masked_cumsum3A : vector<16xi32>
            %sub3A_397 = arith.constant 1 : i32
            %sub3A_398 = vector.broadcast %sub3A_397 : i32 to vector<16xi32>
            %sub3A_399 = arith.subi %add3A_396, %sub3A_398 : vector<16xi32>
            %add3A_400 = arith.addi %scan3A_372, %all_reduce_population_count3A : vector<16xi32>
            %convert_element_type3A_401 = arith.extui %gt3A_391 : vector<16xi1> to vector<16xi32>
            %broadcast_in_dim3A_402 = arith.constant true
            %broadcast_in_dim3A_403 = vector.broadcast %broadcast_in_dim3A_402 : i1 to vector<16xi1>
            %masked_cumsum3A_404 = tpu.scan <sum>, %convert_element_type3A_401 masked %broadcast_in_dim3A_403 : vector<16xi32>, vector<16xi1> -> vector<16xi32>
            %add3A_405 = arith.addi %add3A_400, %masked_cumsum3A_404 : vector<16xi32>
            %sub3A_406 = arith.constant 1 : i32
            %sub3A_407 = vector.broadcast %sub3A_406 : i32 to vector<16xi32>
            %sub3A_408 = arith.subi %add3A_405, %sub3A_407 : vector<16xi32>
            tpu.vector_store_idx %arg7[%sub3A_399], %get3A_377 masked %gt3A_388 : memref<20000xf32, #tpu.memory_space<vmem>>[vector<16xi32>], vector<16xf32>, vector<16xi1>
            %mul3A_409 = arith.constant 2 : i32
            %mul3A_410 = arith.muli %mul3A_409, %scan3A_371 : i32
            %mul3A_411 = arith.constant 16 : i32
            %mul3A_412 = arith.muli %mul3A_410, %mul3A_411 : i32
            %add3A_413 = vector.broadcast %mul3A_412 : i32 to vector<16xi32>
            %add3A_414 = arith.addi %add3A_413, %iota3A : vector<16xi32>
            tpu.vector_store_idx %arg8[%sub3A_399], %add3A_414 masked %gt3A_388 : memref<20000xi32, #tpu.memory_space<vmem>>[vector<16xi32>], vector<16xi32>, vector<16xi1>
            tpu.vector_store_idx %arg7[%sub3A_408], %get3A_385 masked %gt3A_391 : memref<20000xf32, #tpu.memory_space<vmem>>[vector<16xi32>], vector<16xf32>, vector<16xi1>
            %mul3A_415 = arith.constant 2 : i32
            %mul3A_416 = arith.muli %mul3A_415, %scan3A_371 : i32
            %add3A_417 = arith.constant 1 : i32
            %add3A_418 = arith.addi %mul3A_416, %add3A_417 : i32
            %mul3A_419 = arith.constant 16 : i32
            %mul3A_420 = arith.muli %add3A_418, %mul3A_419 : i32
            %add3A_421 = vector.broadcast %mul3A_420 : i32 to vector<16xi32>
            %add3A_422 = arith.addi %add3A_421, %iota3A : vector<16xi32>
            tpu.vector_store_idx %arg8[%sub3A_408], %add3A_422 masked %gt3A_391 : memref<20000xi32, #tpu.memory_space<vmem>>[vector<16xi32>], vector<16xi32>, vector<16xi1>
            %add3A_423 = arith.addi %scan3A_372, %all_reduce_population_count3A : vector<16xi32>
            %add3A_424 = arith.addi %add3A_423, %all_reduce_population_count3A_392 : vector<16xi32>
            scf.yield %add3A_424 : vector<16xi32>
          }
          %scan3A_65 = arith.constant 625 : i32
          %reduce_max3A = arith.constant true
          %reduce_max3A_66 = vector.broadcast %reduce_max3A : i1 to vector<16xi1>
          %reduce_max3A_67 = arith.constant -2147483648 : i32
          %reduce_max3A_68 = vector.broadcast %reduce_max3A_67 : i32 to vector<16xi32>
          %reduce_max3A_69 = arith.xori %scan3A_64, %reduce_max3A_68 : vector<16xi32>
          %reduce_max3A_70 = tpu.scan <max>, %reduce_max3A_69 masked %reduce_max3A_66 : vector<16xi32>, vector<16xi1> -> vector<16xi32>
          %reduce_max3A_71 = arith.xori %reduce_max3A_70, %reduce_max3A_68 : vector<16xi32>
          %reduce_max3A_72 = vector.extract %reduce_max3A_71[15] : i32 from vector<16xi32>
          %add3A_73 = arith.addi %scan3A_64, %iota3A : vector<16xi32>
          %min3A = arith.constant 19999 : i32
          %min3A_74 = vector.broadcast %min3A : i32 to vector<16xi32>
          %min3A_75 = arith.minsi %add3A_73, %min3A_74 : vector<16xi32>
          %broadcast_in_dim3A_76 = arith.constant 0xFF800000 : f32
          %broadcast_in_dim3A_77 = vector.broadcast %broadcast_in_dim3A_76 : f32 to vector<16xf32>
          %add3A_78 = arith.addi %scan3A_64, %iota3A : vector<16xi32>
          %lt3A_79 = arith.constant 20000 : i32
          %lt3A_80 = vector.broadcast %lt3A_79 : i32 to vector<16xi32>
          %lt3A_81 = arith.cmpi slt, %add3A_78, %lt3A_80 : vector<16xi32>
          tpu.vector_store_idx %arg7[%min3A_75], %broadcast_in_dim3A_77 masked %lt3A_81 : memref<20000xf32, #tpu.memory_space<vmem>>[vector<16xi32>], vector<16xf32>, vector<16xi1>
          %add3A_82 = arith.constant 16 : i32
          %add3A_83 = arith.addi %reduce_max3A_72, %add3A_82 : i32
          %sub3A_84 = arith.constant 1 : i32
          %sub3A_85 = arith.subi %add3A_83, %sub3A_84 : i32
          %jit3A_86 = arith.constant 16 : i32
          %div3A_87 = arith.divsi %sub3A_85, %jit3A_86 : i32
          %sign3A_88 = arith.constant 0 : i32
          %sign3A_89 = arith.cmpi sgt, %sub3A_85, %sign3A_88 : i32
          %sign3A_90 = arith.extui %sign3A_89 : i1 to i32
          %sign3A_91 = arith.constant 0 : i32
          %sign3A_92 = arith.cmpi slt, %sub3A_85, %sign3A_91 : i32
          %sign3A_93 = arith.extui %sign3A_92 : i1 to i32
          %sign3A_94 = arith.subi %sign3A_90, %sign3A_93 : i32
          %sign3A_95 = arith.constant 0 : i32
          %sign3A_96 = arith.cmpi sgt, %jit3A_86, %sign3A_95 : i32
          %sign3A_97 = arith.extui %sign3A_96 : i1 to i32
          %sign3A_98 = arith.constant 0 : i32
          %sign3A_99 = arith.cmpi slt, %jit3A_86, %sign3A_98 : i32
          %sign3A_100 = arith.extui %sign3A_99 : i1 to i32
          %sign3A_101 = arith.subi %sign3A_97, %sign3A_100 : i32
          %ne3A_102 = arith.cmpi ne, %sign3A_94, %sign3A_101 : i32
          %rem3A_103 = arith.remsi %sub3A_85, %jit3A_86 : i32
          %ne3A_104 = arith.constant 0 : i32
          %ne3A_105 = arith.cmpi ne, %rem3A_103, %ne3A_104 : i32
          %and3A_106 = arith.andi %ne3A_102, %ne3A_105 : i1
          %sub3A_107 = arith.constant 1 : i32
          %sub3A_108 = arith.subi %div3A_87, %sub3A_107 : i32
          %select_n3A_109 = arith.select %and3A_106, %sub3A_108, %div3A_87 : i32
          %broadcast_in_dim3A_110 = vector.broadcast %reduce_max3A_72 : i32 to vector<16xi32>
          %broadcast_in_dim3A_111 = arith.constant 0.949999988 : f32
          %broadcast_in_dim3A_112 = vector.broadcast %broadcast_in_dim3A_111 : f32 to vector<16xf32>
          %broadcast_in_dim3A_113 = arith.constant 1.000000e+00 : f32
          %broadcast_in_dim3A_114 = vector.broadcast %broadcast_in_dim3A_113 : f32 to vector<16xf32>
          %scan3A_115 = arith.constant 0 : i32
          %scan3A_116 = arith.constant 24 : i32
          %scan3A_117 = arith.addi %scan3A_115, %scan3A_116 : i32
          %scan3A_118 = arith.constant 1 : i32
          %scan3A_119:2 = scf.for %scan3A_371 = %scan3A_115 to %scan3A_117 step %scan3A_118 iter_args(%scan3A_372 = %broadcast_in_dim3A_112, %scan3A_373 = %broadcast_in_dim3A_114) -> (vector<16xf32>, vector<16xf32>)  : i32 {
            %add3A_374 = arith.addf %scan3A_372, %scan3A_373 : vector<16xf32>
            %mul3A_375 = arith.constant 5.000000e-01 : f32
            %mul3A_376 = vector.broadcast %mul3A_375 : f32 to vector<16xf32>
            %mul3A_377 = arith.mulf %add3A_374, %mul3A_376 : vector<16xf32>
            %while3A_378 = arith.constant 0 : i32
            %while3A_379 = arith.subi %select_n3A_109, %while3A_378 : i32
            %while3A_380 = arith.addi %while3A_378, %while3A_379 : i32
            %while3A_381 = arith.constant 1 : i32
            %while3A_382 = arith.divsi %while3A_379, %while3A_381 : i32
            %while3A_383 = arith.muli %while3A_382, %while3A_381 : i32
            %while3A_384 = arith.addi %while3A_378, %while3A_383 : i32
            %while3A_385 = arith.constant 1 : i32
            %while3A_386 = scf.for %while3A_393 = %while3A_378 to %while3A_384 step %while3A_385 iter_args(%while3A_394 = %broadcast_in_dim3A_3) -> (vector<16xi32>)  : i32 {
              %mul3A_395 = arith.constant 16 : i32
              %mul3A_396 = arith.muli %while3A_393, %mul3A_395 : i32
              %get3A = arith.index_cast %mul3A_396 : i32 to index
              %get3A_397 = tpu.vector_load %arg7[%get3A] {strides = array<i32>} : memref<20000xf32, #tpu.memory_space<vmem>>, vector<16xf32>,
              %gt3A_398 = arith.cmpf ogt, %get3A_397, %mul3A_377 : vector<16xf32>
              %all_reduce_population_count3A = tpu.all_reduce %gt3A_398 {dim = 0 : i64, kind = #tpu.reduction_kind<sum>} : vector<16xi1> -> vector<16xi32>
              %add3A_399 = arith.addi %while3A_394, %all_reduce_population_count3A : vector<16xi32>
              scf.yield %add3A_399 : vector<16xi32>
            }
            %while3A_387 = arith.constant 1 : i32
            %while3A_388 = scf.for %while3A_393 = %while3A_384 to %while3A_380 step %while3A_387 iter_args(%while3A_394 = %while3A_386) -> (vector<16xi32>)  : i32 {
              %mul3A_395 = arith.constant 16 : i32
              %mul3A_396 = arith.muli %while3A_393, %mul3A_395 : i32
              %get3A = arith.index_cast %mul3A_396 : i32 to index
              %get3A_397 = tpu.vector_load %arg7[%get3A] {strides = array<i32>} : memref<20000xf32, #tpu.memory_space<vmem>>, vector<16xf32>,
              %gt3A_398 = arith.cmpf ogt, %get3A_397, %mul3A_377 : vector<16xf32>
              %all_reduce_population_count3A = tpu.all_reduce %gt3A_398 {dim = 0 : i64, kind = #tpu.reduction_kind<sum>} : vector<16xi1> -> vector<16xi32>
              %add3A_399 = arith.addi %while3A_394, %all_reduce_population_count3A : vector<16xi32>
              scf.yield %add3A_399 : vector<16xi32>
            }
            %ge3A = arith.constant 200 : i32
            %ge3A_389 = vector.broadcast %ge3A : i32 to vector<16xi32>
            %ge3A_390 = arith.cmpi sge, %while3A_388, %ge3A_389 : vector<16xi32>
            %select_n3A_391 = arith.select %ge3A_390, %mul3A_377, %scan3A_372 : vector<16xi1>, vector<16xf32>
            %select_n3A_392 = arith.select %ge3A_390, %scan3A_373, %mul3A_377 : vector<16xi1>, vector<16xf32>
            scf.yield %select_n3A_391, %select_n3A_392 : vector<16xf32>, vector<16xf32>
          }
          %scan3A_120 = arith.constant 24 : i32
          %while3A = arith.constant 0 : i32
          %while3A_121 = arith.subi %select_n3A_109, %while3A : i32
          %while3A_122 = arith.addi %while3A, %while3A_121 : i32
          %while3A_123 = arith.constant 1 : i32
          %while3A_124 = arith.divsi %while3A_121, %while3A_123 : i32
          %while3A_125 = arith.muli %while3A_124, %while3A_123 : i32
          %while3A_126 = arith.addi %while3A, %while3A_125 : i32
          %while3A_127 = arith.constant 1 : i32
          %while3A_128 = scf.for %while3A_371 = %while3A to %while3A_126 step %while3A_127 iter_args(%while3A_372 = %broadcast_in_dim3A_3) -> (vector<16xi32>)  : i32 {
            %mul3A_373 = arith.constant 16 : i32
            %mul3A_374 = arith.muli %while3A_371, %mul3A_373 : i32
            %get3A = arith.index_cast %mul3A_374 : i32 to index
            %get3A_375 = tpu.vector_load %arg7[%get3A] {strides = array<i32>} : memref<20000xf32, #tpu.memory_space<vmem>>, vector<16xf32>,
            %gt3A_376 = arith.cmpf ogt, %get3A_375, %scan3A_119#0 : vector<16xf32>
            %convert_element_type3A_377 = arith.extui %gt3A_376 : vector<16xi1> to vector<16xi32>
            %broadcast_in_dim3A_378 = arith.constant true
            %broadcast_in_dim3A_379 = vector.broadcast %broadcast_in_dim3A_378 : i1 to vector<16xi1>
            %masked_cumsum3A = tpu.scan <sum>, %convert_element_type3A_377 masked %broadcast_in_dim3A_379 : vector<16xi32>, vector<16xi1> -> vector<16xi32>
            %add3A_380 = arith.addi %while3A_372, %masked_cumsum3A : vector<16xi32>
            %sub3A_381 = arith.constant 1 : i32
            %sub3A_382 = vector.broadcast %sub3A_381 : i32 to vector<16xi32>
            %sub3A_383 = arith.subi %add3A_380, %sub3A_382 : vector<16xi32>
            tpu.vector_store_idx %arg6[%sub3A_383], %get3A_375 masked %gt3A_376 : memref<20000xf32, #tpu.memory_space<vmem>>[vector<16xi32>], vector<16xf32>, vector<16xi1>
            %mul3A_384 = arith.constant 16 : i32
            %mul3A_385 = arith.muli %while3A_371, %mul3A_384 : i32
            %get3A_386 = arith.index_cast %mul3A_385 : i32 to index
            %get3A_387 = tpu.vector_load %arg8[%get3A_386] {strides = array<i32>} : memref<20000xi32, #tpu.memory_space<vmem>>, vector<16xi32>,
            tpu.vector_store_idx %arg9[%sub3A_383], %get3A_387 masked %gt3A_376 : memref<20000xi32, #tpu.memory_space<vmem>>[vector<16xi32>], vector<16xi32>, vector<16xi1>
            %all_reduce_population_count3A = tpu.all_reduce %gt3A_376 {dim = 0 : i64, kind = #tpu.reduction_kind<sum>} : vector<16xi1> -> vector<16xi32>
            %add3A_388 = arith.addi %while3A_372, %all_reduce_population_count3A : vector<16xi32>
            scf.yield %add3A_388 : vector<16xi32>
          }
          %while3A_129 = arith.constant 1 : i32
          %while3A_130 = scf.for %while3A_371 = %while3A_126 to %while3A_122 step %while3A_129 iter_args(%while3A_372 = %while3A_128) -> (vector<16xi32>)  : i32 {
            %mul3A_373 = arith.constant 16 : i32
            %mul3A_374 = arith.muli %while3A_371, %mul3A_373 : i32
            %get3A = arith.index_cast %mul3A_374 : i32 to index
            %get3A_375 = tpu.vector_load %arg7[%get3A] {strides = array<i32>} : memref<20000xf32, #tpu.memory_space<vmem>>, vector<16xf32>,
            %gt3A_376 = arith.cmpf ogt, %get3A_375, %scan3A_119#0 : vector<16xf32>
            %convert_element_type3A_377 = arith.extui %gt3A_376 : vector<16xi1> to vector<16xi32>
            %broadcast_in_dim3A_378 = arith.constant true
            %broadcast_in_dim3A_379 = vector.broadcast %broadcast_in_dim3A_378 : i1 to vector<16xi1>
            %masked_cumsum3A = tpu.scan <sum>, %convert_element_type3A_377 masked %broadcast_in_dim3A_379 : vector<16xi32>, vector<16xi1> -> vector<16xi32>
            %add3A_380 = arith.addi %while3A_372, %masked_cumsum3A : vector<16xi32>
            %sub3A_381 = arith.constant 1 : i32
            %sub3A_382 = vector.broadcast %sub3A_381 : i32 to vector<16xi32>
            %sub3A_383 = arith.subi %add3A_380, %sub3A_382 : vector<16xi32>
            tpu.vector_store_idx %arg6[%sub3A_383], %get3A_375 masked %gt3A_376 : memref<20000xf32, #tpu.memory_space<vmem>>[vector<16xi32>], vector<16xf32>, vector<16xi1>
            %mul3A_384 = arith.constant 16 : i32
            %mul3A_385 = arith.muli %while3A_371, %mul3A_384 : i32
            %get3A_386 = arith.index_cast %mul3A_385 : i32 to index
            %get3A_387 = tpu.vector_load %arg8[%get3A_386] {strides = array<i32>} : memref<20000xi32, #tpu.memory_space<vmem>>, vector<16xi32>,
            tpu.vector_store_idx %arg9[%sub3A_383], %get3A_387 masked %gt3A_376 : memref<20000xi32, #tpu.memory_space<vmem>>[vector<16xi32>], vector<16xi32>, vector<16xi1>
            %all_reduce_population_count3A = tpu.all_reduce %gt3A_376 {dim = 0 : i64, kind = #tpu.reduction_kind<sum>} : vector<16xi1> -> vector<16xi32>
            %add3A_388 = arith.addi %while3A_372, %all_reduce_population_count3A : vector<16xi32>
            scf.yield %add3A_388 : vector<16xi32>
          }
          %reduce_max3A_131 = arith.constant true
          %reduce_max3A_132 = vector.broadcast %reduce_max3A_131 : i1 to vector<16xi1>
          %reduce_max3A_133 = arith.constant -2147483648 : i32
          %reduce_max3A_134 = vector.broadcast %reduce_max3A_133 : i32 to vector<16xi32>
          %reduce_max3A_135 = arith.xori %while3A_130, %reduce_max3A_134 : vector<16xi32>
          %reduce_max3A_136 = tpu.scan <max>, %reduce_max3A_135 masked %reduce_max3A_132 : vector<16xi32>, vector<16xi1> -> vector<16xi32>
          %reduce_max3A_137 = arith.xori %reduce_max3A_136, %reduce_max3A_134 : vector<16xi32>
          %reduce_max3A_138 = vector.extract %reduce_max3A_137[15] : i32 from vector<16xi32>
          %add3A_139 = arith.constant 16 : i32
          %add3A_140 = arith.addi %reduce_max3A_138, %add3A_139 : i32
          %sub3A_141 = arith.constant 1 : i32
          %sub3A_142 = arith.subi %add3A_140, %sub3A_141 : i32
          %jit3A_143 = arith.constant 16 : i32
          %div3A_144 = arith.divsi %sub3A_142, %jit3A_143 : i32
          %sign3A_145 = arith.constant 0 : i32
          %sign3A_146 = arith.cmpi sgt, %sub3A_142, %sign3A_145 : i32
          %sign3A_147 = arith.extui %sign3A_146 : i1 to i32
          %sign3A_148 = arith.constant 0 : i32
          %sign3A_149 = arith.cmpi slt, %sub3A_142, %sign3A_148 : i32
          %sign3A_150 = arith.extui %sign3A_149 : i1 to i32
          %sign3A_151 = arith.subi %sign3A_147, %sign3A_150 : i32
          %sign3A_152 = arith.constant 0 : i32
          %sign3A_153 = arith.cmpi sgt, %jit3A_143, %sign3A_152 : i32
          %sign3A_154 = arith.extui %sign3A_153 : i1 to i32
          %sign3A_155 = arith.constant 0 : i32
          %sign3A_156 = arith.cmpi slt, %jit3A_143, %sign3A_155 : i32
          %sign3A_157 = arith.extui %sign3A_156 : i1 to i32
          %sign3A_158 = arith.subi %sign3A_154, %sign3A_157 : i32
          %ne3A_159 = arith.cmpi ne, %sign3A_151, %sign3A_158 : i32
          %rem3A_160 = arith.remsi %sub3A_142, %jit3A_143 : i32
          %ne3A_161 = arith.constant 0 : i32
          %ne3A_162 = arith.cmpi ne, %rem3A_160, %ne3A_161 : i32
          %and3A_163 = arith.andi %ne3A_159, %ne3A_162 : i1
          %sub3A_164 = arith.constant 1 : i32
          %sub3A_165 = arith.subi %div3A_144, %sub3A_164 : i32
          %select_n3A_166 = arith.select %and3A_163, %sub3A_165, %div3A_144 : i32
          %add3A_167 = arith.addi %while3A_130, %iota3A : vector<16xi32>
          %min3A_168 = arith.constant 19999 : i32
          %min3A_169 = vector.broadcast %min3A_168 : i32 to vector<16xi32>
          %min3A_170 = arith.minsi %add3A_167, %min3A_169 : vector<16xi32>
          %broadcast_in_dim3A_171 = arith.constant 0xFF800000 : f32
          %broadcast_in_dim3A_172 = vector.broadcast %broadcast_in_dim3A_171 : f32 to vector<16xf32>
          %add3A_173 = arith.addi %while3A_130, %iota3A : vector<16xi32>
          %lt3A_174 = arith.constant 20000 : i32
          %lt3A_175 = vector.broadcast %lt3A_174 : i32 to vector<16xi32>
          %lt3A_176 = arith.cmpi slt, %add3A_173, %lt3A_175 : vector<16xi32>
          tpu.vector_store_idx %arg6[%min3A_170], %broadcast_in_dim3A_172 masked %lt3A_176 : memref<20000xf32, #tpu.memory_space<vmem>>[vector<16xi32>], vector<16xf32>, vector<16xi1>
          %scan3A_177 = arith.constant 0 : i32
          %scan3A_178 = arith.constant 0 : i32
          %scan3A_179 = arith.constant 200 : i32
          %scan3A_180 = arith.addi %scan3A_178, %scan3A_179 : i32
          %scan3A_181 = arith.constant 1 : i32
          %scan3A_182 = scf.for %scan3A_371 = %scan3A_178 to %scan3A_180 step %scan3A_181 iter_args(%scan3A_372 = %scan3A_177) -> (i32)  : i32 {
            %broadcast_in_dim3A_373 = arith.constant 0xFF800000 : f32
            %broadcast_in_dim3A_374 = vector.broadcast %broadcast_in_dim3A_373 : f32 to vector<16xf32>
            %while3A_375 = arith.constant 0 : i32
            %while3A_376 = arith.subi %select_n3A_166, %while3A_375 : i32
            %while3A_377 = arith.addi %while3A_375, %while3A_376 : i32
            %while3A_378 = arith.constant 1 : i32
            %while3A_379 = arith.divsi %while3A_376, %while3A_378 : i32
            %while3A_380 = arith.muli %while3A_379, %while3A_378 : i32
            %while3A_381 = arith.addi %while3A_375, %while3A_380 : i32
            %while3A_382 = arith.constant 1 : i32
            %while3A_383:2 = scf.for %while3A_412 = %while3A_375 to %while3A_381 step %while3A_382 iter_args(%while3A_413 = %broadcast_in_dim3A_374, %while3A_414 = %broadcast_in_dim3A_3) -> (vector<16xf32>, vector<16xi32>)  : i32 {
              %mul3A_415 = arith.constant 16 : i32
              %mul3A_416 = arith.muli %while3A_412, %mul3A_415 : i32
              %get3A = arith.index_cast %mul3A_416 : i32 to index
              %get3A_417 = tpu.vector_load %arg6[%get3A] {strides = array<i32>} : memref<20000xf32, #tpu.memory_space<vmem>>, vector<16xf32>,
              %mul3A_418 = arith.constant 16 : i32
              %mul3A_419 = arith.muli %while3A_412, %mul3A_418 : i32
              %add3A_420 = vector.broadcast %mul3A_419 : i32 to vector<16xi32>
              %add3A_421 = arith.addi %add3A_420, %iota3A : vector<16xi32>
              %ge3A = arith.cmpf oge, %get3A_417, %while3A_413 : vector<16xf32>
              %select_n3A_422 = arith.select %ge3A, %get3A_417, %while3A_413 : vector<16xi1>, vector<16xf32>
              %select_n3A_423 = arith.select %ge3A, %add3A_421, %while3A_414 : vector<16xi1>, vector<16xi32>
              scf.yield %select_n3A_422, %select_n3A_423 : vector<16xf32>, vector<16xi32>
            }
            %while3A_384 = arith.constant 1 : i32
            %while3A_385:2 = scf.for %while3A_412 = %while3A_381 to %while3A_377 step %while3A_384 iter_args(%while3A_413 = %while3A_383#0, %while3A_414 = %while3A_383#1) -> (vector<16xf32>, vector<16xi32>)  : i32 {
              %mul3A_415 = arith.constant 16 : i32
              %mul3A_416 = arith.muli %while3A_412, %mul3A_415 : i32
              %get3A = arith.index_cast %mul3A_416 : i32 to index
              %get3A_417 = tpu.vector_load %arg6[%get3A] {strides = array<i32>} : memref<20000xf32, #tpu.memory_space<vmem>>, vector<16xf32>,
              %mul3A_418 = arith.constant 16 : i32
              %mul3A_419 = arith.muli %while3A_412, %mul3A_418 : i32
              %add3A_420 = vector.broadcast %mul3A_419 : i32 to vector<16xi32>
              %add3A_421 = arith.addi %add3A_420, %iota3A : vector<16xi32>
              %ge3A = arith.cmpf oge, %get3A_417, %while3A_413 : vector<16xf32>
              %select_n3A_422 = arith.select %ge3A, %get3A_417, %while3A_413 : vector<16xi1>, vector<16xf32>
              %select_n3A_423 = arith.select %ge3A, %add3A_421, %while3A_414 : vector<16xi1>, vector<16xi32>
              scf.yield %select_n3A_422, %select_n3A_423 : vector<16xf32>, vector<16xi32>
            }
            %reduce_max3A_386 = arith.constant true
            %reduce_max3A_387 = vector.broadcast %reduce_max3A_386 : i1 to vector<16xi1>
            %reduce_max3A_388 = tpu.scan <max>, %while3A_385#0 masked %reduce_max3A_387 : vector<16xf32>, vector<16xi1> -> vector<16xf32>
            %reduce_max3A_389 = vector.extract %reduce_max3A_388[15] : f32 from vector<16xf32>
            %broadcast_in_dim3A_390 = vector.broadcast %reduce_max3A_389 : f32 to vector<16xf32>
            %eq3A_391 = arith.cmpf oeq, %while3A_385#0, %broadcast_in_dim3A_390 : vector<16xf32>
            %jit3A_392 = arith.constant -1 : i32
            %broadcast_in_dim3A_393 = vector.broadcast %jit3A_392 : i32 to vector<16xi32>
            %select_n3A_394 = arith.select %eq3A_391, %while3A_385#1, %broadcast_in_dim3A_393 : vector<16xi1>, vector<16xi32>
            %reduce_max3A_395 = arith.constant true
            %reduce_max3A_396 = vector.broadcast %reduce_max3A_395 : i1 to vector<16xi1>
            %reduce_max3A_397 = arith.constant -2147483648 : i32
            %reduce_max3A_398 = vector.broadcast %reduce_max3A_397 : i32 to vector<16xi32>
            %reduce_max3A_399 = arith.xori %select_n3A_394, %reduce_max3A_398 : vector<16xi32>
            %reduce_max3A_400 = tpu.scan <max>, %reduce_max3A_399 masked %reduce_max3A_396 : vector<16xi32>, vector<16xi1> -> vector<16xi32>
            %reduce_max3A_401 = arith.xori %reduce_max3A_400, %reduce_max3A_398 : vector<16xi32>
            %reduce_max3A_402 = vector.extract %reduce_max3A_401[15] : i32 from vector<16xi32>
            %max3A = arith.constant 0 : i32
            %max3A_403 = arith.maxsi %reduce_max3A_402, %max3A : i32
            %broadcast_in_dim3A_404 = vector.broadcast %max3A_403 : i32 to vector<16xi32>
            %gather3A = tpu.vector_load_idx %arg9[%broadcast_in_dim3A_404] : memref<20000xi32, #tpu.memory_space<vmem>>[vector<16xi32>], vector<16xi32>,
            %broadcast_in_dim3A_405 = vector.broadcast %scan3A_371 : i32 to vector<16xi32>
            %eq3A_406 = arith.constant 0 : i32
            %eq3A_407 = vector.broadcast %eq3A_406 : i32 to vector<16xi32>
            %eq3A_408 = arith.cmpi eq, %iota3A, %eq3A_407 : vector<16xi32>
            tpu.vector_store_idx %arg10[%broadcast_in_dim3A_405], %broadcast_in_dim3A_390 masked %eq3A_408 : memref<208xf32, #tpu.memory_space<vmem>>[vector<16xi32>], vector<16xf32>, vector<16xi1>
            tpu.vector_store_idx %arg11[%broadcast_in_dim3A_405], %gather3A masked %eq3A_408 : memref<208xi32, #tpu.memory_space<vmem>>[vector<16xi32>], vector<16xi32>, vector<16xi1>
            %broadcast_in_dim3A_409 = arith.constant 0xFF800000 : f32
            %broadcast_in_dim3A_410 = vector.broadcast %broadcast_in_dim3A_409 : f32 to vector<16xf32>
            tpu.vector_store_idx %arg6[%broadcast_in_dim3A_404], %broadcast_in_dim3A_410 masked %eq3A_408 : memref<20000xf32, #tpu.memory_space<vmem>>[vector<16xi32>], vector<16xf32>, vector<16xi1>
            %scan3A_411 = arith.constant 0 : i32
            scf.yield %scan3A_411 : i32
          }
          %scan3A_183 = arith.constant 200 : i32
          %mul3A_184 = arith.constant 4 : i32
          %mul3A_185 = arith.muli %select_n3A, %mul3A_184 : i32
          %add3A_186 = arith.constant 0 : i32
          %add3A_187 = arith.addi %mul3A_185, %add3A_186 : i32
          %dma_start3A = arith.constant 0 : i32
          %dma_start3A_188 = tpu.memref_slice %arg3[%add3A_187, %dma_start3A] : memref<16x20000xf32, #tpu.memory_space<hbm>> -> memref<1x20000xf32, #tpu.memory_space<hbm>>
          %dma_start3A_189 = tpu.memref_squeeze %dma_start3A_188 : memref<1x20000xf32, #tpu.memory_space<hbm>> -> memref<20000xf32, #tpu.memory_space<hbm>>
          %dma_start3A_190 = arith.constant 0 : i32
          %dma_start3A_191 = tpu.memref_slice %arg3[%add3A_187, %dma_start3A_190] : memref<16x20000xf32, #tpu.memory_space<hbm>> -> memref<1x20000xf32, #tpu.memory_space<hbm>>
          %dma_start3A_192 = tpu.memref_squeeze %dma_start3A_191 : memref<1x20000xf32, #tpu.memory_space<hbm>> -> memref<20000xf32, #tpu.memory_space<hbm>>
          tpu.enqueue_dma source(%dma_start3A_192 : memref<20000xf32, #tpu.memory_space<hbm>>) target(%arg6 : memref<20000xf32, #tpu.memory_space<vmem>>) target_semaphore(%arg21 : memref<!tpu.dma_semaphore, #tpu.memory_space<semaphore_mem>>)
          %mul3A_193 = arith.constant 4 : i32
          %mul3A_194 = arith.muli %select_n3A, %mul3A_193 : i32
          %add3A_195 = arith.constant 1 : i32
          %add3A_196 = arith.addi %mul3A_194, %add3A_195 : i32
          %dma_start3A_197 = arith.constant 0 : i32
          %dma_start3A_198 = tpu.memref_slice %arg3[%add3A_196, %dma_start3A_197] : memref<16x20000xf32, #tpu.memory_space<hbm>> -> memref<1x20000xf32, #tpu.memory_space<hbm>>
          %dma_start3A_199 = tpu.memref_squeeze %dma_start3A_198 : memref<1x20000xf32, #tpu.memory_space<hbm>> -> memref<20000xf32, #tpu.memory_space<hbm>>
          %dma_start3A_200 = arith.constant 0 : i32
          %dma_start3A_201 = tpu.memref_slice %arg3[%add3A_196, %dma_start3A_200] : memref<16x20000xf32, #tpu.memory_space<hbm>> -> memref<1x20000xf32, #tpu.memory_space<hbm>>
          %dma_start3A_202 = tpu.memref_squeeze %dma_start3A_201 : memref<1x20000xf32, #tpu.memory_space<hbm>> -> memref<20000xf32, #tpu.memory_space<hbm>>
          tpu.enqueue_dma source(%dma_start3A_202 : memref<20000xf32, #tpu.memory_space<hbm>>) target(%arg20 : memref<20000xf32, #tpu.memory_space<vmem>>) target_semaphore(%arg22 : memref<!tpu.dma_semaphore, #tpu.memory_space<semaphore_mem>>)
          %dma_wait3A = arith.constant 0 : i32
          %dma_wait3A_203 = tpu.memref_slice %arg3[%add3A_187, %dma_wait3A] : memref<16x20000xf32, #tpu.memory_space<hbm>> -> memref<1x20000xf32, #tpu.memory_space<hbm>>
          %dma_wait3A_204 = tpu.memref_squeeze %dma_wait3A_203 : memref<1x20000xf32, #tpu.memory_space<hbm>> -> memref<20000xf32, #tpu.memory_space<hbm>>
          %dma_wait3A_205 = arith.constant 0 : i32
          %dma_wait3A_206 = tpu.memref_slice %arg3[%add3A_187, %dma_wait3A_205] : memref<16x20000xf32, #tpu.memory_space<hbm>> -> memref<1x20000xf32, #tpu.memory_space<hbm>>
          %dma_wait3A_207 = tpu.memref_squeeze %dma_wait3A_206 : memref<1x20000xf32, #tpu.memory_space<hbm>> -> memref<20000xf32, #tpu.memory_space<hbm>>
          tpu.wait_dma2 semaphore(%arg21 : memref<!tpu.dma_semaphore, #tpu.memory_space<semaphore_mem>>) src(%dma_wait3A_207 : memref<20000xf32, #tpu.memory_space<hbm>>) dst(%arg6 : memref<20000xf32, #tpu.memory_space<vmem>>)
          %scan3A_208 = arith.constant 0 : i32
          %scan3A_209 = arith.constant 0 : i32
          %scan3A_210 = arith.constant 13 : i32
          %scan3A_211 = arith.addi %scan3A_209, %scan3A_210 : i32
          %scan3A_212 = arith.constant 1 : i32
          %scan3A_213 = scf.for %scan3A_371 = %scan3A_209 to %scan3A_211 step %scan3A_212 iter_args(%scan3A_372 = %scan3A_208) -> (i32)  : i32 {
            %mul3A_373 = arith.constant 16 : i32
            %mul3A_374 = arith.muli %scan3A_371, %mul3A_373 : i32
            %get3A = arith.index_cast %mul3A_374 : i32 to index
            %get3A_375 = tpu.vector_load %arg11[%get3A] {strides = array<i32>} : memref<208xi32, #tpu.memory_space<vmem>>, vector<16xi32>,
            %jit3A_376 = arith.constant 0 : i32
            %jit3A_377 = arith.constant 19999 : i32
            %max3A = vector.broadcast %jit3A_376 : i32 to vector<16xi32>
            %max3A_378 = arith.maxsi %max3A, %get3A_375 : vector<16xi32>
            %min3A_379 = vector.broadcast %jit3A_377 : i32 to vector<16xi32>
            %min3A_380 = arith.minsi %min3A_379, %max3A_378 : vector<16xi32>
            %gather3A = tpu.vector_load_idx %arg6[%min3A_380] : memref<20000xf32, #tpu.memory_space<vmem>>[vector<16xi32>], vector<16xf32>,
            %mul3A_381 = arith.constant 16 : i32
            %mul3A_382 = arith.muli %scan3A_371, %mul3A_381 : i32
            %add3A_383 = arith.constant 0 : i32
            %add3A_384 = arith.addi %add3A_383, %mul3A_382 : i32
            %swap3A = arith.index_cast %add3A_384 : i32 to index
            %swap3A_385 = tpu.vector_load %arg12[%swap3A] {strides = array<i32>} : memref<1664xf32, #tpu.memory_space<vmem>>, vector<16xf32>,
            tpu.vector_store %arg12[%swap3A], %gather3A {strides = array<i32>} : memref<1664xf32, #tpu.memory_space<vmem>>, vector<16xf32>,
            %scan3A_386 = arith.constant 0 : i32
            scf.yield %scan3A_386 : i32
          }
          %scan3A_214 = arith.constant 13 : i32
          %mul3A_215 = arith.constant 4 : i32
          %mul3A_216 = arith.muli %select_n3A, %mul3A_215 : i32
          %add3A_217 = arith.constant 2 : i32
          %add3A_218 = arith.addi %mul3A_216, %add3A_217 : i32
          %dma_start3A_219 = arith.constant 0 : i32
          %dma_start3A_220 = tpu.memref_slice %arg3[%add3A_218, %dma_start3A_219] : memref<16x20000xf32, #tpu.memory_space<hbm>> -> memref<1x20000xf32, #tpu.memory_space<hbm>>
          %dma_start3A_221 = tpu.memref_squeeze %dma_start3A_220 : memref<1x20000xf32, #tpu.memory_space<hbm>> -> memref<20000xf32, #tpu.memory_space<hbm>>
          %dma_start3A_222 = arith.constant 0 : i32
          %dma_start3A_223 = tpu.memref_slice %arg3[%add3A_218, %dma_start3A_222] : memref<16x20000xf32, #tpu.memory_space<hbm>> -> memref<1x20000xf32, #tpu.memory_space<hbm>>
          %dma_start3A_224 = tpu.memref_squeeze %dma_start3A_223 : memref<1x20000xf32, #tpu.memory_space<hbm>> -> memref<20000xf32, #tpu.memory_space<hbm>>
          tpu.enqueue_dma source(%dma_start3A_224 : memref<20000xf32, #tpu.memory_space<hbm>>) target(%arg6 : memref<20000xf32, #tpu.memory_space<vmem>>) target_semaphore(%arg21 : memref<!tpu.dma_semaphore, #tpu.memory_space<semaphore_mem>>)
          %dma_wait3A_225 = arith.constant 0 : i32
          %dma_wait3A_226 = tpu.memref_slice %arg3[%add3A_196, %dma_wait3A_225] : memref<16x20000xf32, #tpu.memory_space<hbm>> -> memref<1x20000xf32, #tpu.memory_space<hbm>>
          %dma_wait3A_227 = tpu.memref_squeeze %dma_wait3A_226 : memref<1x20000xf32, #tpu.memory_space<hbm>> -> memref<20000xf32, #tpu.memory_space<hbm>>
          %dma_wait3A_228 = arith.constant 0 : i32
          %dma_wait3A_229 = tpu.memref_slice %arg3[%add3A_196, %dma_wait3A_228] : memref<16x20000xf32, #tpu.memory_space<hbm>> -> memref<1x20000xf32, #tpu.memory_space<hbm>>
          %dma_wait3A_230 = tpu.memref_squeeze %dma_wait3A_229 : memref<1x20000xf32, #tpu.memory_space<hbm>> -> memref<20000xf32, #tpu.memory_space<hbm>>
          tpu.wait_dma2 semaphore(%arg22 : memref<!tpu.dma_semaphore, #tpu.memory_space<semaphore_mem>>) src(%dma_wait3A_230 : memref<20000xf32, #tpu.memory_space<hbm>>) dst(%arg20 : memref<20000xf32, #tpu.memory_space<vmem>>)
          %scan3A_231 = arith.constant 0 : i32
          %scan3A_232 = arith.constant 0 : i32
          %scan3A_233 = arith.constant 13 : i32
          %scan3A_234 = arith.addi %scan3A_232, %scan3A_233 : i32
          %scan3A_235 = arith.constant 1 : i32
          %scan3A_236 = scf.for %scan3A_371 = %scan3A_232 to %scan3A_234 step %scan3A_235 iter_args(%scan3A_372 = %scan3A_231) -> (i32)  : i32 {
            %mul3A_373 = arith.constant 16 : i32
            %mul3A_374 = arith.muli %scan3A_371, %mul3A_373 : i32
            %get3A = arith.index_cast %mul3A_374 : i32 to index
            %get3A_375 = tpu.vector_load %arg11[%get3A] {strides = array<i32>} : memref<208xi32, #tpu.memory_space<vmem>>, vector<16xi32>,
            %jit3A_376 = arith.constant 0 : i32
            %jit3A_377 = arith.constant 19999 : i32
            %max3A = vector.broadcast %jit3A_376 : i32 to vector<16xi32>
            %max3A_378 = arith.maxsi %max3A, %get3A_375 : vector<16xi32>
            %min3A_379 = vector.broadcast %jit3A_377 : i32 to vector<16xi32>
            %min3A_380 = arith.minsi %min3A_379, %max3A_378 : vector<16xi32>
            %gather3A = tpu.vector_load_idx %arg20[%min3A_380] : memref<20000xf32, #tpu.memory_space<vmem>>[vector<16xi32>], vector<16xf32>,
            %mul3A_381 = arith.constant 16 : i32
            %mul3A_382 = arith.muli %scan3A_371, %mul3A_381 : i32
            %add3A_383 = arith.constant 208 : i32
            %add3A_384 = arith.addi %add3A_383, %mul3A_382 : i32
            %swap3A = arith.index_cast %add3A_384 : i32 to index
            %swap3A_385 = tpu.vector_load %arg12[%swap3A] {strides = array<i32>} : memref<1664xf32, #tpu.memory_space<vmem>>, vector<16xf32>,
            tpu.vector_store %arg12[%swap3A], %gather3A {strides = array<i32>} : memref<1664xf32, #tpu.memory_space<vmem>>, vector<16xf32>,
            %scan3A_386 = arith.constant 0 : i32
            scf.yield %scan3A_386 : i32
          }
          %scan3A_237 = arith.constant 13 : i32
          %mul3A_238 = arith.constant 4 : i32
          %mul3A_239 = arith.muli %select_n3A, %mul3A_238 : i32
          %add3A_240 = arith.constant 3 : i32
          %add3A_241 = arith.addi %mul3A_239, %add3A_240 : i32
          %dma_start3A_242 = arith.constant 0 : i32
          %dma_start3A_243 = tpu.memref_slice %arg3[%add3A_241, %dma_start3A_242] : memref<16x20000xf32, #tpu.memory_space<hbm>> -> memref<1x20000xf32, #tpu.memory_space<hbm>>
          %dma_start3A_244 = tpu.memref_squeeze %dma_start3A_243 : memref<1x20000xf32, #tpu.memory_space<hbm>> -> memref<20000xf32, #tpu.memory_space<hbm>>
          %dma_start3A_245 = arith.constant 0 : i32
          %dma_start3A_246 = tpu.memref_slice %arg3[%add3A_241, %dma_start3A_245] : memref<16x20000xf32, #tpu.memory_space<hbm>> -> memref<1x20000xf32, #tpu.memory_space<hbm>>
          %dma_start3A_247 = tpu.memref_squeeze %dma_start3A_246 : memref<1x20000xf32, #tpu.memory_space<hbm>> -> memref<20000xf32, #tpu.memory_space<hbm>>
          tpu.enqueue_dma source(%dma_start3A_247 : memref<20000xf32, #tpu.memory_space<hbm>>) target(%arg20 : memref<20000xf32, #tpu.memory_space<vmem>>) target_semaphore(%arg22 : memref<!tpu.dma_semaphore, #tpu.memory_space<semaphore_mem>>)
          %dma_wait3A_248 = arith.constant 0 : i32
          %dma_wait3A_249 = tpu.memref_slice %arg3[%add3A_218, %dma_wait3A_248] : memref<16x20000xf32, #tpu.memory_space<hbm>> -> memref<1x20000xf32, #tpu.memory_space<hbm>>
          %dma_wait3A_250 = tpu.memref_squeeze %dma_wait3A_249 : memref<1x20000xf32, #tpu.memory_space<hbm>> -> memref<20000xf32, #tpu.memory_space<hbm>>
          %dma_wait3A_251 = arith.constant 0 : i32
          %dma_wait3A_252 = tpu.memref_slice %arg3[%add3A_218, %dma_wait3A_251] : memref<16x20000xf32, #tpu.memory_space<hbm>> -> memref<1x20000xf32, #tpu.memory_space<hbm>>
          %dma_wait3A_253 = tpu.memref_squeeze %dma_wait3A_252 : memref<1x20000xf32, #tpu.memory_space<hbm>> -> memref<20000xf32, #tpu.memory_space<hbm>>
          tpu.wait_dma2 semaphore(%arg21 : memref<!tpu.dma_semaphore, #tpu.memory_space<semaphore_mem>>) src(%dma_wait3A_253 : memref<20000xf32, #tpu.memory_space<hbm>>) dst(%arg6 : memref<20000xf32, #tpu.memory_space<vmem>>)
          %scan3A_254 = arith.constant 0 : i32
          %scan3A_255 = arith.constant 0 : i32
          %scan3A_256 = arith.constant 13 : i32
          %scan3A_257 = arith.addi %scan3A_255, %scan3A_256 : i32
          %scan3A_258 = arith.constant 1 : i32
          %scan3A_259 = scf.for %scan3A_371 = %scan3A_255 to %scan3A_257 step %scan3A_258 iter_args(%scan3A_372 = %scan3A_254) -> (i32)  : i32 {
            %mul3A_373 = arith.constant 16 : i32
            %mul3A_374 = arith.muli %scan3A_371, %mul3A_373 : i32
            %get3A = arith.index_cast %mul3A_374 : i32 to index
            %get3A_375 = tpu.vector_load %arg11[%get3A] {strides = array<i32>} : memref<208xi32, #tpu.memory_space<vmem>>, vector<16xi32>,
            %jit3A_376 = arith.constant 0 : i32
            %jit3A_377 = arith.constant 19999 : i32
            %max3A = vector.broadcast %jit3A_376 : i32 to vector<16xi32>
            %max3A_378 = arith.maxsi %max3A, %get3A_375 : vector<16xi32>
            %min3A_379 = vector.broadcast %jit3A_377 : i32 to vector<16xi32>
            %min3A_380 = arith.minsi %min3A_379, %max3A_378 : vector<16xi32>
            %gather3A = tpu.vector_load_idx %arg6[%min3A_380] : memref<20000xf32, #tpu.memory_space<vmem>>[vector<16xi32>], vector<16xf32>,
            %mul3A_381 = arith.constant 16 : i32
            %mul3A_382 = arith.muli %scan3A_371, %mul3A_381 : i32
            %add3A_383 = arith.constant 416 : i32
            %add3A_384 = arith.addi %add3A_383, %mul3A_382 : i32
            %swap3A = arith.index_cast %add3A_384 : i32 to index
            %swap3A_385 = tpu.vector_load %arg12[%swap3A] {strides = array<i32>} : memref<1664xf32, #tpu.memory_space<vmem>>, vector<16xf32>,
            tpu.vector_store %arg12[%swap3A], %gather3A {strides = array<i32>} : memref<1664xf32, #tpu.memory_space<vmem>>, vector<16xf32>,
            %scan3A_386 = arith.constant 0 : i32
            scf.yield %scan3A_386 : i32
          }
          %scan3A_260 = arith.constant 13 : i32
          %dma_start3A_261 = arith.constant 0 : i32
          %dma_start3A_262 = arith.constant 0 : i32
          %dma_start3A_263 = tpu.memref_slice %arg4[%dma_start3A_261, %dma_start3A_262] : memref<4x20000xf32, #tpu.memory_space<hbm>> -> memref<1x20000xf32, #tpu.memory_space<hbm>>
          %dma_start3A_264 = tpu.memref_squeeze %dma_start3A_263 : memref<1x20000xf32, #tpu.memory_space<hbm>> -> memref<20000xf32, #tpu.memory_space<hbm>>
          %dma_start3A_265 = arith.constant 0 : i32
          %dma_start3A_266 = tpu.memref_slice %arg4[%dma_start3A_261, %dma_start3A_265] : memref<4x20000xf32, #tpu.memory_space<hbm>> -> memref<1x20000xf32, #tpu.memory_space<hbm>>
          %dma_start3A_267 = tpu.memref_squeeze %dma_start3A_266 : memref<1x20000xf32, #tpu.memory_space<hbm>> -> memref<20000xf32, #tpu.memory_space<hbm>>
          tpu.enqueue_dma source(%dma_start3A_267 : memref<20000xf32, #tpu.memory_space<hbm>>) target(%arg6 : memref<20000xf32, #tpu.memory_space<vmem>>) target_semaphore(%arg21 : memref<!tpu.dma_semaphore, #tpu.memory_space<semaphore_mem>>)
          %dma_wait3A_268 = arith.constant 0 : i32
          %dma_wait3A_269 = tpu.memref_slice %arg3[%add3A_241, %dma_wait3A_268] : memref<16x20000xf32, #tpu.memory_space<hbm>> -> memref<1x20000xf32, #tpu.memory_space<hbm>>
          %dma_wait3A_270 = tpu.memref_squeeze %dma_wait3A_269 : memref<1x20000xf32, #tpu.memory_space<hbm>> -> memref<20000xf32, #tpu.memory_space<hbm>>
          %dma_wait3A_271 = arith.constant 0 : i32
          %dma_wait3A_272 = tpu.memref_slice %arg3[%add3A_241, %dma_wait3A_271] : memref<16x20000xf32, #tpu.memory_space<hbm>> -> memref<1x20000xf32, #tpu.memory_space<hbm>>
          %dma_wait3A_273 = tpu.memref_squeeze %dma_wait3A_272 : memref<1x20000xf32, #tpu.memory_space<hbm>> -> memref<20000xf32, #tpu.memory_space<hbm>>
          tpu.wait_dma2 semaphore(%arg22 : memref<!tpu.dma_semaphore, #tpu.memory_space<semaphore_mem>>) src(%dma_wait3A_273 : memref<20000xf32, #tpu.memory_space<hbm>>) dst(%arg20 : memref<20000xf32, #tpu.memory_space<vmem>>)
          %scan3A_274 = arith.constant 0 : i32
          %scan3A_275 = arith.constant 0 : i32
          %scan3A_276 = arith.constant 13 : i32
          %scan3A_277 = arith.addi %scan3A_275, %scan3A_276 : i32
          %scan3A_278 = arith.constant 1 : i32
          %scan3A_279 = scf.for %scan3A_371 = %scan3A_275 to %scan3A_277 step %scan3A_278 iter_args(%scan3A_372 = %scan3A_274) -> (i32)  : i32 {
            %mul3A_373 = arith.constant 16 : i32
            %mul3A_374 = arith.muli %scan3A_371, %mul3A_373 : i32
            %get3A = arith.index_cast %mul3A_374 : i32 to index
            %get3A_375 = tpu.vector_load %arg11[%get3A] {strides = array<i32>} : memref<208xi32, #tpu.memory_space<vmem>>, vector<16xi32>,
            %jit3A_376 = arith.constant 0 : i32
            %jit3A_377 = arith.constant 19999 : i32
            %max3A = vector.broadcast %jit3A_376 : i32 to vector<16xi32>
            %max3A_378 = arith.maxsi %max3A, %get3A_375 : vector<16xi32>
            %min3A_379 = vector.broadcast %jit3A_377 : i32 to vector<16xi32>
            %min3A_380 = arith.minsi %min3A_379, %max3A_378 : vector<16xi32>
            %gather3A = tpu.vector_load_idx %arg20[%min3A_380] : memref<20000xf32, #tpu.memory_space<vmem>>[vector<16xi32>], vector<16xf32>,
            %mul3A_381 = arith.constant 16 : i32
            %mul3A_382 = arith.muli %scan3A_371, %mul3A_381 : i32
            %add3A_383 = arith.constant 624 : i32
            %add3A_384 = arith.addi %add3A_383, %mul3A_382 : i32
            %swap3A = arith.index_cast %add3A_384 : i32 to index
            %swap3A_385 = tpu.vector_load %arg12[%swap3A] {strides = array<i32>} : memref<1664xf32, #tpu.memory_space<vmem>>, vector<16xf32>,
            tpu.vector_store %arg12[%swap3A], %gather3A {strides = array<i32>} : memref<1664xf32, #tpu.memory_space<vmem>>, vector<16xf32>,
            %scan3A_386 = arith.constant 0 : i32
            scf.yield %scan3A_386 : i32
          }
          %scan3A_280 = arith.constant 13 : i32
          %dma_start3A_281 = arith.constant 1 : i32
          %dma_start3A_282 = arith.constant 0 : i32
          %dma_start3A_283 = tpu.memref_slice %arg4[%dma_start3A_281, %dma_start3A_282] : memref<4x20000xf32, #tpu.memory_space<hbm>> -> memref<1x20000xf32, #tpu.memory_space<hbm>>
          %dma_start3A_284 = tpu.memref_squeeze %dma_start3A_283 : memref<1x20000xf32, #tpu.memory_space<hbm>> -> memref<20000xf32, #tpu.memory_space<hbm>>
          %dma_start3A_285 = arith.constant 0 : i32
          %dma_start3A_286 = tpu.memref_slice %arg4[%dma_start3A_281, %dma_start3A_285] : memref<4x20000xf32, #tpu.memory_space<hbm>> -> memref<1x20000xf32, #tpu.memory_space<hbm>>
          %dma_start3A_287 = tpu.memref_squeeze %dma_start3A_286 : memref<1x20000xf32, #tpu.memory_space<hbm>> -> memref<20000xf32, #tpu.memory_space<hbm>>
          tpu.enqueue_dma source(%dma_start3A_287 : memref<20000xf32, #tpu.memory_space<hbm>>) target(%arg20 : memref<20000xf32, #tpu.memory_space<vmem>>) target_semaphore(%arg22 : memref<!tpu.dma_semaphore, #tpu.memory_space<semaphore_mem>>)
          %dma_wait3A_288 = arith.constant 0 : i32
          %dma_wait3A_289 = arith.constant 0 : i32
          %dma_wait3A_290 = tpu.memref_slice %arg4[%dma_wait3A_288, %dma_wait3A_289] : memref<4x20000xf32, #tpu.memory_space<hbm>> -> memref<1x20000xf32, #tpu.memory_space<hbm>>
          %dma_wait3A_291 = tpu.memref_squeeze %dma_wait3A_290 : memref<1x20000xf32, #tpu.memory_space<hbm>> -> memref<20000xf32, #tpu.memory_space<hbm>>
          %dma_wait3A_292 = arith.constant 0 : i32
          %dma_wait3A_293 = tpu.memref_slice %arg4[%dma_wait3A_288, %dma_wait3A_292] : memref<4x20000xf32, #tpu.memory_space<hbm>> -> memref<1x20000xf32, #tpu.memory_space<hbm>>
          %dma_wait3A_294 = tpu.memref_squeeze %dma_wait3A_293 : memref<1x20000xf32, #tpu.memory_space<hbm>> -> memref<20000xf32, #tpu.memory_space<hbm>>
          tpu.wait_dma2 semaphore(%arg21 : memref<!tpu.dma_semaphore, #tpu.memory_space<semaphore_mem>>) src(%dma_wait3A_294 : memref<20000xf32, #tpu.memory_space<hbm>>) dst(%arg6 : memref<20000xf32, #tpu.memory_space<vmem>>)
          %scan3A_295 = arith.constant 0 : i32
          %scan3A_296 = arith.constant 0 : i32
          %scan3A_297 = arith.constant 13 : i32
          %scan3A_298 = arith.addi %scan3A_296, %scan3A_297 : i32
          %scan3A_299 = arith.constant 1 : i32
          %scan3A_300 = scf.for %scan3A_371 = %scan3A_296 to %scan3A_298 step %scan3A_299 iter_args(%scan3A_372 = %scan3A_295) -> (i32)  : i32 {
            %mul3A_373 = arith.constant 16 : i32
            %mul3A_374 = arith.muli %scan3A_371, %mul3A_373 : i32
            %get3A = arith.index_cast %mul3A_374 : i32 to index
            %get3A_375 = tpu.vector_load %arg11[%get3A] {strides = array<i32>} : memref<208xi32, #tpu.memory_space<vmem>>, vector<16xi32>,
            %jit3A_376 = arith.constant 0 : i32
            %jit3A_377 = arith.constant 19999 : i32
            %max3A = vector.broadcast %jit3A_376 : i32 to vector<16xi32>
            %max3A_378 = arith.maxsi %max3A, %get3A_375 : vector<16xi32>
            %min3A_379 = vector.broadcast %jit3A_377 : i32 to vector<16xi32>
            %min3A_380 = arith.minsi %min3A_379, %max3A_378 : vector<16xi32>
            %gather3A = tpu.vector_load_idx %arg6[%min3A_380] : memref<20000xf32, #tpu.memory_space<vmem>>[vector<16xi32>], vector<16xf32>,
            %mul3A_381 = arith.constant 16 : i32
            %mul3A_382 = arith.muli %scan3A_371, %mul3A_381 : i32
            %add3A_383 = arith.constant 832 : i32
            %add3A_384 = arith.addi %add3A_383, %mul3A_382 : i32
            %swap3A = arith.index_cast %add3A_384 : i32 to index
            %swap3A_385 = tpu.vector_load %arg12[%swap3A] {strides = array<i32>} : memref<1664xf32, #tpu.memory_space<vmem>>, vector<16xf32>,
            tpu.vector_store %arg12[%swap3A], %gather3A {strides = array<i32>} : memref<1664xf32, #tpu.memory_space<vmem>>, vector<16xf32>,
            %scan3A_386 = arith.constant 0 : i32
            scf.yield %scan3A_386 : i32
          }
          %scan3A_301 = arith.constant 13 : i32
          %dma_start3A_302 = arith.constant 2 : i32
          %dma_start3A_303 = arith.constant 0 : i32
          %dma_start3A_304 = tpu.memref_slice %arg4[%dma_start3A_302, %dma_start3A_303] : memref<4x20000xf32, #tpu.memory_space<hbm>> -> memref<1x20000xf32, #tpu.memory_space<hbm>>
          %dma_start3A_305 = tpu.memref_squeeze %dma_start3A_304 : memref<1x20000xf32, #tpu.memory_space<hbm>> -> memref<20000xf32, #tpu.memory_space<hbm>>
          %dma_start3A_306 = arith.constant 0 : i32
          %dma_start3A_307 = tpu.memref_slice %arg4[%dma_start3A_302, %dma_start3A_306] : memref<4x20000xf32, #tpu.memory_space<hbm>> -> memref<1x20000xf32, #tpu.memory_space<hbm>>
          %dma_start3A_308 = tpu.memref_squeeze %dma_start3A_307 : memref<1x20000xf32, #tpu.memory_space<hbm>> -> memref<20000xf32, #tpu.memory_space<hbm>>
          tpu.enqueue_dma source(%dma_start3A_308 : memref<20000xf32, #tpu.memory_space<hbm>>) target(%arg6 : memref<20000xf32, #tpu.memory_space<vmem>>) target_semaphore(%arg21 : memref<!tpu.dma_semaphore, #tpu.memory_space<semaphore_mem>>)
          %dma_wait3A_309 = arith.constant 1 : i32
          %dma_wait3A_310 = arith.constant 0 : i32
          %dma_wait3A_311 = tpu.memref_slice %arg4[%dma_wait3A_309, %dma_wait3A_310] : memref<4x20000xf32, #tpu.memory_space<hbm>> -> memref<1x20000xf32, #tpu.memory_space<hbm>>
          %dma_wait3A_312 = tpu.memref_squeeze %dma_wait3A_311 : memref<1x20000xf32, #tpu.memory_space<hbm>> -> memref<20000xf32, #tpu.memory_space<hbm>>
          %dma_wait3A_313 = arith.constant 0 : i32
          %dma_wait3A_314 = tpu.memref_slice %arg4[%dma_wait3A_309, %dma_wait3A_313] : memref<4x20000xf32, #tpu.memory_space<hbm>> -> memref<1x20000xf32, #tpu.memory_space<hbm>>
          %dma_wait3A_315 = tpu.memref_squeeze %dma_wait3A_314 : memref<1x20000xf32, #tpu.memory_space<hbm>> -> memref<20000xf32, #tpu.memory_space<hbm>>
          tpu.wait_dma2 semaphore(%arg22 : memref<!tpu.dma_semaphore, #tpu.memory_space<semaphore_mem>>) src(%dma_wait3A_315 : memref<20000xf32, #tpu.memory_space<hbm>>) dst(%arg20 : memref<20000xf32, #tpu.memory_space<vmem>>)
          %scan3A_316 = arith.constant 0 : i32
          %scan3A_317 = arith.constant 0 : i32
          %scan3A_318 = arith.constant 13 : i32
          %scan3A_319 = arith.addi %scan3A_317, %scan3A_318 : i32
          %scan3A_320 = arith.constant 1 : i32
          %scan3A_321 = scf.for %scan3A_371 = %scan3A_317 to %scan3A_319 step %scan3A_320 iter_args(%scan3A_372 = %scan3A_316) -> (i32)  : i32 {
            %mul3A_373 = arith.constant 16 : i32
            %mul3A_374 = arith.muli %scan3A_371, %mul3A_373 : i32
            %get3A = arith.index_cast %mul3A_374 : i32 to index
            %get3A_375 = tpu.vector_load %arg11[%get3A] {strides = array<i32>} : memref<208xi32, #tpu.memory_space<vmem>>, vector<16xi32>,
            %jit3A_376 = arith.constant 0 : i32
            %jit3A_377 = arith.constant 19999 : i32
            %max3A = vector.broadcast %jit3A_376 : i32 to vector<16xi32>
            %max3A_378 = arith.maxsi %max3A, %get3A_375 : vector<16xi32>
            %min3A_379 = vector.broadcast %jit3A_377 : i32 to vector<16xi32>
            %min3A_380 = arith.minsi %min3A_379, %max3A_378 : vector<16xi32>
            %gather3A = tpu.vector_load_idx %arg20[%min3A_380] : memref<20000xf32, #tpu.memory_space<vmem>>[vector<16xi32>], vector<16xf32>,
            %mul3A_381 = arith.constant 16 : i32
            %mul3A_382 = arith.muli %scan3A_371, %mul3A_381 : i32
            %add3A_383 = arith.constant 1040 : i32
            %add3A_384 = arith.addi %add3A_383, %mul3A_382 : i32
            %swap3A = arith.index_cast %add3A_384 : i32 to index
            %swap3A_385 = tpu.vector_load %arg12[%swap3A] {strides = array<i32>} : memref<1664xf32, #tpu.memory_space<vmem>>, vector<16xf32>,
            tpu.vector_store %arg12[%swap3A], %gather3A {strides = array<i32>} : memref<1664xf32, #tpu.memory_space<vmem>>, vector<16xf32>,
            %scan3A_386 = arith.constant 0 : i32
            scf.yield %scan3A_386 : i32
          }
          %scan3A_322 = arith.constant 13 : i32
          %dma_start3A_323 = arith.constant 3 : i32
          %dma_start3A_324 = arith.constant 0 : i32
          %dma_start3A_325 = tpu.memref_slice %arg4[%dma_start3A_323, %dma_start3A_324] : memref<4x20000xf32, #tpu.memory_space<hbm>> -> memref<1x20000xf32, #tpu.memory_space<hbm>>
          %dma_start3A_326 = tpu.memref_squeeze %dma_start3A_325 : memref<1x20000xf32, #tpu.memory_space<hbm>> -> memref<20000xf32, #tpu.memory_space<hbm>>
          %dma_start3A_327 = arith.constant 0 : i32
          %dma_start3A_328 = tpu.memref_slice %arg4[%dma_start3A_323, %dma_start3A_327] : memref<4x20000xf32, #tpu.memory_space<hbm>> -> memref<1x20000xf32, #tpu.memory_space<hbm>>
          %dma_start3A_329 = tpu.memref_squeeze %dma_start3A_328 : memref<1x20000xf32, #tpu.memory_space<hbm>> -> memref<20000xf32, #tpu.memory_space<hbm>>
          tpu.enqueue_dma source(%dma_start3A_329 : memref<20000xf32, #tpu.memory_space<hbm>>) target(%arg20 : memref<20000xf32, #tpu.memory_space<vmem>>) target_semaphore(%arg22 : memref<!tpu.dma_semaphore, #tpu.memory_space<semaphore_mem>>)
          %dma_wait3A_330 = arith.constant 2 : i32
          %dma_wait3A_331 = arith.constant 0 : i32
          %dma_wait3A_332 = tpu.memref_slice %arg4[%dma_wait3A_330, %dma_wait3A_331] : memref<4x20000xf32, #tpu.memory_space<hbm>> -> memref<1x20000xf32, #tpu.memory_space<hbm>>
          %dma_wait3A_333 = tpu.memref_squeeze %dma_wait3A_332 : memref<1x20000xf32, #tpu.memory_space<hbm>> -> memref<20000xf32, #tpu.memory_space<hbm>>
          %dma_wait3A_334 = arith.constant 0 : i32
          %dma_wait3A_335 = tpu.memref_slice %arg4[%dma_wait3A_330, %dma_wait3A_334] : memref<4x20000xf32, #tpu.memory_space<hbm>> -> memref<1x20000xf32, #tpu.memory_space<hbm>>
          %dma_wait3A_336 = tpu.memref_squeeze %dma_wait3A_335 : memref<1x20000xf32, #tpu.memory_space<hbm>> -> memref<20000xf32, #tpu.memory_space<hbm>>
          tpu.wait_dma2 semaphore(%arg21 : memref<!tpu.dma_semaphore, #tpu.memory_space<semaphore_mem>>) src(%dma_wait3A_336 : memref<20000xf32, #tpu.memory_space<hbm>>) dst(%arg6 : memref<20000xf32, #tpu.memory_space<vmem>>)
          %scan3A_337 = arith.constant 0 : i32
          %scan3A_338 = arith.constant 0 : i32
          %scan3A_339 = arith.constant 13 : i32
          %scan3A_340 = arith.addi %scan3A_338, %scan3A_339 : i32
          %scan3A_341 = arith.constant 1 : i32
          %scan3A_342 = scf.for %scan3A_371 = %scan3A_338 to %scan3A_340 step %scan3A_341 iter_args(%scan3A_372 = %scan3A_337) -> (i32)  : i32 {
            %mul3A_373 = arith.constant 16 : i32
            %mul3A_374 = arith.muli %scan3A_371, %mul3A_373 : i32
            %get3A = arith.index_cast %mul3A_374 : i32 to index
            %get3A_375 = tpu.vector_load %arg11[%get3A] {strides = array<i32>} : memref<208xi32, #tpu.memory_space<vmem>>, vector<16xi32>,
            %jit3A_376 = arith.constant 0 : i32
            %jit3A_377 = arith.constant 19999 : i32
            %max3A = vector.broadcast %jit3A_376 : i32 to vector<16xi32>
            %max3A_378 = arith.maxsi %max3A, %get3A_375 : vector<16xi32>
            %min3A_379 = vector.broadcast %jit3A_377 : i32 to vector<16xi32>
            %min3A_380 = arith.minsi %min3A_379, %max3A_378 : vector<16xi32>
            %gather3A = tpu.vector_load_idx %arg6[%min3A_380] : memref<20000xf32, #tpu.memory_space<vmem>>[vector<16xi32>], vector<16xf32>,
            %mul3A_381 = arith.constant 16 : i32
            %mul3A_382 = arith.muli %scan3A_371, %mul3A_381 : i32
            %add3A_383 = arith.constant 1248 : i32
            %add3A_384 = arith.addi %add3A_383, %mul3A_382 : i32
            %swap3A = arith.index_cast %add3A_384 : i32 to index
            %swap3A_385 = tpu.vector_load %arg12[%swap3A] {strides = array<i32>} : memref<1664xf32, #tpu.memory_space<vmem>>, vector<16xf32>,
            tpu.vector_store %arg12[%swap3A], %gather3A {strides = array<i32>} : memref<1664xf32, #tpu.memory_space<vmem>>, vector<16xf32>,
            %scan3A_386 = arith.constant 0 : i32
            scf.yield %scan3A_386 : i32
          }
          %scan3A_343 = arith.constant 13 : i32
          %dma_wait3A_344 = arith.constant 3 : i32
          %dma_wait3A_345 = arith.constant 0 : i32
          %dma_wait3A_346 = tpu.memref_slice %arg4[%dma_wait3A_344, %dma_wait3A_345] : memref<4x20000xf32, #tpu.memory_space<hbm>> -> memref<1x20000xf32, #tpu.memory_space<hbm>>
          %dma_wait3A_347 = tpu.memref_squeeze %dma_wait3A_346 : memref<1x20000xf32, #tpu.memory_space<hbm>> -> memref<20000xf32, #tpu.memory_space<hbm>>
          %dma_wait3A_348 = arith.constant 0 : i32
          %dma_wait3A_349 = tpu.memref_slice %arg4[%dma_wait3A_344, %dma_wait3A_348] : memref<4x20000xf32, #tpu.memory_space<hbm>> -> memref<1x20000xf32, #tpu.memory_space<hbm>>
          %dma_wait3A_350 = tpu.memref_squeeze %dma_wait3A_349 : memref<1x20000xf32, #tpu.memory_space<hbm>> -> memref<20000xf32, #tpu.memory_space<hbm>>
          tpu.wait_dma2 semaphore(%arg22 : memref<!tpu.dma_semaphore, #tpu.memory_space<semaphore_mem>>) src(%dma_wait3A_350 : memref<20000xf32, #tpu.memory_space<hbm>>) dst(%arg20 : memref<20000xf32, #tpu.memory_space<vmem>>)
          %scan3A_351 = arith.constant 0 : i32
          %scan3A_352 = arith.constant 0 : i32
          %scan3A_353 = arith.constant 13 : i32
          %scan3A_354 = arith.addi %scan3A_352, %scan3A_353 : i32
          %scan3A_355 = arith.constant 1 : i32
          %scan3A_356 = scf.for %scan3A_371 = %scan3A_352 to %scan3A_354 step %scan3A_355 iter_args(%scan3A_372 = %scan3A_351) -> (i32)  : i32 {
            %mul3A_373 = arith.constant 16 : i32
            %mul3A_374 = arith.muli %scan3A_371, %mul3A_373 : i32
            %get3A = arith.index_cast %mul3A_374 : i32 to index
            %get3A_375 = tpu.vector_load %arg11[%get3A] {strides = array<i32>} : memref<208xi32, #tpu.memory_space<vmem>>, vector<16xi32>,
            %jit3A_376 = arith.constant 0 : i32
            %jit3A_377 = arith.constant 19999 : i32
            %max3A = vector.broadcast %jit3A_376 : i32 to vector<16xi32>
            %max3A_378 = arith.maxsi %max3A, %get3A_375 : vector<16xi32>
            %min3A_379 = vector.broadcast %jit3A_377 : i32 to vector<16xi32>
            %min3A_380 = arith.minsi %min3A_379, %max3A_378 : vector<16xi32>
            %gather3A = tpu.vector_load_idx %arg20[%min3A_380] : memref<20000xf32, #tpu.memory_space<vmem>>[vector<16xi32>], vector<16xf32>,
            %mul3A_381 = arith.constant 16 : i32
            %mul3A_382 = arith.muli %scan3A_371, %mul3A_381 : i32
            %add3A_383 = arith.constant 1456 : i32
            %add3A_384 = arith.addi %add3A_383, %mul3A_382 : i32
            %swap3A = arith.index_cast %add3A_384 : i32 to index
            %swap3A_385 = tpu.vector_load %arg12[%swap3A] {strides = array<i32>} : memref<1664xf32, #tpu.memory_space<vmem>>, vector<16xf32>,
            tpu.vector_store %arg12[%swap3A], %gather3A {strides = array<i32>} : memref<1664xf32, #tpu.memory_space<vmem>>, vector<16xf32>,
            %scan3A_386 = arith.constant 0 : i32
            scf.yield %scan3A_386 : i32
          }
          %scan3A_357 = arith.constant 13 : i32
          %scan3A_358 = arith.constant 0 : i32
          %scan3A_359 = arith.constant 0 : i32
          %scan3A_360 = arith.constant 13 : i32
          %scan3A_361 = arith.addi %scan3A_359, %scan3A_360 : i32
          %scan3A_362 = arith.constant 1 : i32
          %scan3A_363 = scf.for %scan3A_371 = %scan3A_359 to %scan3A_361 step %scan3A_362 iter_args(%scan3A_372 = %scan3A_358) -> (i32)  : i32 {
            %mul3A_373 = arith.constant 16 : i32
            %mul3A_374 = arith.muli %scan3A_371, %mul3A_373 : i32
            %mul3A_375 = arith.constant 16 : i32
            %mul3A_376 = arith.muli %scan3A_371, %mul3A_375 : i32
            %add3A_377 = arith.constant 0 : i32
            %add3A_378 = arith.addi %add3A_377, %mul3A_376 : i32
            %get3A = arith.index_cast %add3A_378 : i32 to index
            %get3A_379 = tpu.vector_load %arg12[%get3A] {strides = array<i32>} : memref<1664xf32, #tpu.memory_space<vmem>>, vector<16xf32>,
            %mul3A_380 = arith.constant 16 : i32
            %mul3A_381 = arith.muli %scan3A_371, %mul3A_380 : i32
            %add3A_382 = arith.constant 208 : i32
            %add3A_383 = arith.addi %add3A_382, %mul3A_381 : i32
            %get3A_384 = arith.index_cast %add3A_383 : i32 to index
            %get3A_385 = tpu.vector_load %arg12[%get3A_384] {strides = array<i32>} : memref<1664xf32, #tpu.memory_space<vmem>>, vector<16xf32>,
            %mul3A_386 = arith.constant 16 : i32
            %mul3A_387 = arith.muli %scan3A_371, %mul3A_386 : i32
            %add3A_388 = arith.constant 416 : i32
            %add3A_389 = arith.addi %add3A_388, %mul3A_387 : i32
            %get3A_390 = arith.index_cast %add3A_389 : i32 to index
            %get3A_391 = tpu.vector_load %arg12[%get3A_390] {strides = array<i32>} : memref<1664xf32, #tpu.memory_space<vmem>>, vector<16xf32>,
            %mul3A_392 = arith.constant 16 : i32
            %mul3A_393 = arith.muli %scan3A_371, %mul3A_392 : i32
            %add3A_394 = arith.constant 624 : i32
            %add3A_395 = arith.addi %add3A_394, %mul3A_393 : i32
            %get3A_396 = arith.index_cast %add3A_395 : i32 to index
            %get3A_397 = tpu.vector_load %arg12[%get3A_396] {strides = array<i32>} : memref<1664xf32, #tpu.memory_space<vmem>>, vector<16xf32>,
            %mul3A_398 = arith.constant 16 : i32
            %mul3A_399 = arith.muli %scan3A_371, %mul3A_398 : i32
            %add3A_400 = arith.constant 832 : i32
            %add3A_401 = arith.addi %add3A_400, %mul3A_399 : i32
            %get3A_402 = arith.index_cast %add3A_401 : i32 to index
            %get3A_403 = tpu.vector_load %arg12[%get3A_402] {strides = array<i32>} : memref<1664xf32, #tpu.memory_space<vmem>>, vector<16xf32>,
            %mul3A_404 = arith.constant 16 : i32
            %mul3A_405 = arith.muli %scan3A_371, %mul3A_404 : i32
            %add3A_406 = arith.constant 1040 : i32
            %add3A_407 = arith.addi %add3A_406, %mul3A_405 : i32
            %get3A_408 = arith.index_cast %add3A_407 : i32 to index
            %get3A_409 = tpu.vector_load %arg12[%get3A_408] {strides = array<i32>} : memref<1664xf32, #tpu.memory_space<vmem>>, vector<16xf32>,
            %mul3A_410 = arith.constant 16 : i32
            %mul3A_411 = arith.muli %scan3A_371, %mul3A_410 : i32
            %add3A_412 = arith.constant 1248 : i32
            %add3A_413 = arith.addi %add3A_412, %mul3A_411 : i32
            %get3A_414 = arith.index_cast %add3A_413 : i32 to index
            %get3A_415 = tpu.vector_load %arg12[%get3A_414] {strides = array<i32>} : memref<1664xf32, #tpu.memory_space<vmem>>, vector<16xf32>,
            %mul3A_416 = arith.constant 16 : i32
            %mul3A_417 = arith.muli %scan3A_371, %mul3A_416 : i32
            %add3A_418 = arith.constant 1456 : i32
            %add3A_419 = arith.addi %add3A_418, %mul3A_417 : i32
            %get3A_420 = arith.index_cast %add3A_419 : i32 to index
            %get3A_421 = tpu.vector_load %arg12[%get3A_420] {strides = array<i32>} : memref<1664xf32, #tpu.memory_space<vmem>>, vector<16xf32>,
            %mul3A_422 = arith.constant 1.000000e-01 : f32
            %mul3A_423 = vector.broadcast %mul3A_422 : f32 to vector<16xf32>
            %mul3A_424 = arith.mulf %get3A_379, %mul3A_423 : vector<16xf32>
            %mul3A_425 = arith.mulf %mul3A_424, %get3A_415 : vector<16xf32>
            %add3A_426 = arith.addf %get3A_403, %mul3A_425 : vector<16xf32>
            %mul3A_427 = arith.constant 1.000000e-01 : f32
            %mul3A_428 = vector.broadcast %mul3A_427 : f32 to vector<16xf32>
            %mul3A_429 = arith.mulf %get3A_385, %mul3A_428 : vector<16xf32>
            %mul3A_430 = arith.mulf %mul3A_429, %get3A_421 : vector<16xf32>
            %add3A_431 = arith.addf %get3A_409, %mul3A_430 : vector<16xf32>
            %mul3A_432 = arith.constant 2.000000e-01 : f32
            %mul3A_433 = vector.broadcast %mul3A_432 : f32 to vector<16xf32>
            %mul3A_434 = arith.mulf %get3A_391, %mul3A_433 : vector<16xf32>
            %exp3A = math.exp %mul3A_434 : vector<16xf32>
            %mul3A_435 = arith.mulf %get3A_415, %exp3A : vector<16xf32>
            %mul3A_436 = arith.constant 2.000000e-01 : f32
            %mul3A_437 = vector.broadcast %mul3A_436 : f32 to vector<16xf32>
            %mul3A_438 = arith.mulf %get3A_397, %mul3A_437 : vector<16xf32>
            %exp3A_439 = math.exp %mul3A_438 : vector<16xf32>
            %mul3A_440 = arith.mulf %get3A_421, %exp3A_439 : vector<16xf32>
            %div3A_441 = arith.constant 2.000000e+00 : f32
            %div3A_442 = vector.broadcast %div3A_441 : f32 to vector<16xf32>
            %div3A_443 = arith.divf %mul3A_435, %div3A_442 : vector<16xf32>
            %sub3A_444 = arith.subf %add3A_426, %div3A_443 : vector<16xf32>
            %div3A_445 = arith.constant 2.000000e+00 : f32
            %div3A_446 = vector.broadcast %div3A_445 : f32 to vector<16xf32>
            %div3A_447 = arith.divf %mul3A_440, %div3A_446 : vector<16xf32>
            %sub3A_448 = arith.subf %add3A_431, %div3A_447 : vector<16xf32>
            %add3A_449 = arith.addf %mul3A_435, %sub3A_444 : vector<16xf32>
            %add3A_450 = arith.addf %mul3A_440, %sub3A_448 : vector<16xf32>
            %swap3A = arith.index_cast %mul3A_374 : i32 to index
            %swap3A_451 = tpu.vector_load %arg13[%swap3A] {strides = array<i32>} : memref<208xf32, #tpu.memory_space<vmem>>, vector<16xf32>,
            tpu.vector_store %arg13[%swap3A], %sub3A_444 {strides = array<i32>} : memref<208xf32, #tpu.memory_space<vmem>>, vector<16xf32>,
            %swap3A_452 = arith.index_cast %mul3A_374 : i32 to index
            %swap3A_453 = tpu.vector_load %arg14[%swap3A_452] {strides = array<i32>} : memref<208xf32, #tpu.memory_space<vmem>>, vector<16xf32>,
            tpu.vector_store %arg14[%swap3A_452], %sub3A_448 {strides = array<i32>} : memref<208xf32, #tpu.memory_space<vmem>>, vector<16xf32>,
            %swap3A_454 = arith.index_cast %mul3A_374 : i32 to index
            %swap3A_455 = tpu.vector_load %arg15[%swap3A_454] {strides = array<i32>} : memref<208xf32, #tpu.memory_space<vmem>>, vector<16xf32>,
            tpu.vector_store %arg15[%swap3A_454], %add3A_449 {strides = array<i32>} : memref<208xf32, #tpu.memory_space<vmem>>, vector<16xf32>,
            %swap3A_456 = arith.index_cast %mul3A_374 : i32 to index
            %swap3A_457 = tpu.vector_load %arg16[%swap3A_456] {strides = array<i32>} : memref<208xf32, #tpu.memory_space<vmem>>, vector<16xf32>,
            tpu.vector_store %arg16[%swap3A_456], %add3A_450 {strides = array<i32>} : memref<208xf32, #tpu.memory_space<vmem>>, vector<16xf32>,
            %sub3A_458 = arith.subf %add3A_449, %sub3A_444 : vector<16xf32>
            %sub3A_459 = arith.subf %add3A_450, %sub3A_448 : vector<16xf32>
            %mul3A_460 = arith.mulf %sub3A_458, %sub3A_459 : vector<16xf32>
            %swap3A_461 = arith.index_cast %mul3A_374 : i32 to index
            %swap3A_462 = tpu.vector_load %arg17[%swap3A_461] {strides = array<i32>} : memref<208xf32, #tpu.memory_space<vmem>>, vector<16xf32>,
            tpu.vector_store %arg17[%swap3A_461], %mul3A_460 {strides = array<i32>} : memref<208xf32, #tpu.memory_space<vmem>>, vector<16xf32>,
            %swap3A_463 = arith.index_cast %mul3A_374 : i32 to index
            %swap3A_464 = tpu.vector_load %arg18[%swap3A_463] {strides = array<i32>} : memref<208xi32, #tpu.memory_space<vmem>>, vector<16xi32>,
            tpu.vector_store %arg18[%swap3A_463], %broadcast_in_dim3A_3 {strides = array<i32>} : memref<208xi32, #tpu.memory_space<vmem>>, vector<16xi32>,
            %scan3A_465 = arith.constant 0 : i32
            scf.yield %scan3A_465 : i32
          }
          %scan3A_364 = arith.constant 13 : i32
          %scan3A_365 = arith.constant 0 : i32
          %scan3A_366 = arith.constant 200 : i32
          %scan3A_367 = arith.addi %scan3A_365, %scan3A_366 : i32
          %scan3A_368 = arith.constant 1 : i32
          %scan3A_369 = scf.for %scan3A_371 = %scan3A_365 to %scan3A_367 step %scan3A_368 iter_args(%scan3A_372 = %broadcast_in_dim3A_3) -> (vector<16xi32>)  : i32 {
            %broadcast_in_dim3A_373 = vector.broadcast %scan3A_371 : i32 to vector<16xi32>
            %gather3A = tpu.vector_load_idx %arg10[%broadcast_in_dim3A_373] : memref<208xf32, #tpu.memory_space<vmem>>[vector<16xi32>], vector<16xf32>,
            %gather3A_374 = tpu.vector_load_idx %arg18[%broadcast_in_dim3A_373] : memref<208xi32, #tpu.memory_space<vmem>>[vector<16xi32>], vector<16xi32>,
            %gather3A_375 = tpu.vector_load_idx %arg13[%broadcast_in_dim3A_373] : memref<208xf32, #tpu.memory_space<vmem>>[vector<16xi32>], vector<16xf32>,
            %gather3A_376 = tpu.vector_load_idx %arg14[%broadcast_in_dim3A_373] : memref<208xf32, #tpu.memory_space<vmem>>[vector<16xi32>], vector<16xf32>,
            %gather3A_377 = tpu.vector_load_idx %arg15[%broadcast_in_dim3A_373] : memref<208xf32, #tpu.memory_space<vmem>>[vector<16xi32>], vector<16xf32>,
            %gather3A_378 = tpu.vector_load_idx %arg16[%broadcast_in_dim3A_373] : memref<208xf32, #tpu.memory_space<vmem>>[vector<16xi32>], vector<16xf32>,
            %gather3A_379 = tpu.vector_load_idx %arg17[%broadcast_in_dim3A_373] : memref<208xf32, #tpu.memory_space<vmem>>[vector<16xi32>], vector<16xf32>,
            %gt3A_380 = arith.constant 0.949999988 : f32
            %gt3A_381 = vector.broadcast %gt3A_380 : f32 to vector<16xf32>
            %gt3A_382 = arith.cmpf ogt, %gather3A, %gt3A_381 : vector<16xf32>
            %eq3A_383 = arith.constant 0 : i32
            %eq3A_384 = vector.broadcast %eq3A_383 : i32 to vector<16xi32>
            %eq3A_385 = arith.cmpi eq, %gather3A_374, %eq3A_384 : vector<16xi32>
            %and3A_386 = arith.andi %gt3A_382, %eq3A_385 : vector<16xi1>
            %eq3A_387 = arith.constant 0 : i32
            %eq3A_388 = vector.broadcast %eq3A_387 : i32 to vector<16xi32>
            %eq3A_389 = arith.cmpi eq, %iota3A, %eq3A_388 : vector<16xi32>
            %eq3A_390 = arith.constant 1 : i32
            %eq3A_391 = vector.broadcast %eq3A_390 : i32 to vector<16xi32>
            %eq3A_392 = arith.cmpi eq, %iota3A, %eq3A_391 : vector<16xi32>
            %eq3A_393 = arith.constant 2 : i32
            %eq3A_394 = vector.broadcast %eq3A_393 : i32 to vector<16xi32>
            %eq3A_395 = arith.cmpi eq, %iota3A, %eq3A_394 : vector<16xi32>
            %eq3A_396 = arith.constant 3 : i32
            %eq3A_397 = vector.broadcast %eq3A_396 : i32 to vector<16xi32>
            %eq3A_398 = arith.cmpi eq, %iota3A, %eq3A_397 : vector<16xi32>
            %select_n3A_399 = arith.select %eq3A_398, %gather3A_377, %gather3A_378 : vector<16xi1>, vector<16xf32>
            %select_n3A_400 = arith.select %eq3A_395, %gather3A_376, %select_n3A_399 : vector<16xi1>, vector<16xf32>
            %select_n3A_401 = arith.select %eq3A_392, %gather3A_375, %select_n3A_400 : vector<16xi1>, vector<16xf32>
            %select_n3A_402 = arith.select %eq3A_389, %gather3A, %select_n3A_401 : vector<16xi1>, vector<16xf32>
            %mul3A_403 = arith.constant 5 : i32
            %mul3A_404 = vector.broadcast %mul3A_403 : i32 to vector<16xi32>
            %mul3A_405 = arith.muli %scan3A_372, %mul3A_404 : vector<16xi32>
            %add3A_406 = arith.addi %mul3A_405, %iota3A : vector<16xi32>
            %min3A_407 = arith.constant 1007 : i32
            %min3A_408 = vector.broadcast %min3A_407 : i32 to vector<16xi32>
            %min3A_409 = arith.minsi %add3A_406, %min3A_408 : vector<16xi32>
            %lt3A_410 = arith.constant 5 : i32
            %lt3A_411 = vector.broadcast %lt3A_410 : i32 to vector<16xi32>
            %lt3A_412 = arith.cmpi slt, %iota3A, %lt3A_411 : vector<16xi32>
            %and3A_413 = arith.andi %and3A_386, %lt3A_412 : vector<16xi1>
            tpu.vector_store_idx %arg19[%min3A_409], %select_n3A_402 masked %and3A_413 : memref<1008xf32, #tpu.memory_space<vmem>>[vector<16xi32>], vector<16xf32>, vector<16xi1>
            %jit3A_414 = arith.constant 1 : i32
            %jit3A_415 = arith.constant 0 : i32
            %broadcast_in_dim3A_416 = vector.broadcast %jit3A_414 : i32 to vector<16xi32>
            %broadcast_in_dim3A_417 = vector.broadcast %jit3A_415 : i32 to vector<16xi32>
            %select_n3A_418 = arith.select %and3A_386, %broadcast_in_dim3A_416, %broadcast_in_dim3A_417 : vector<16xi1>, vector<16xi32>
            %add3A_419 = arith.addi %scan3A_372, %select_n3A_418 : vector<16xi32>
            %jit3A_420 = arith.constant 16 : i32
            %div3A_421 = arith.divsi %scan3A_371, %jit3A_420 : i32
            %sign3A_422 = arith.constant 0 : i32
            %sign3A_423 = arith.cmpi sgt, %scan3A_371, %sign3A_422 : i32
            %sign3A_424 = arith.extui %sign3A_423 : i1 to i32
            %sign3A_425 = arith.constant 0 : i32
            %sign3A_426 = arith.cmpi slt, %scan3A_371, %sign3A_425 : i32
            %sign3A_427 = arith.extui %sign3A_426 : i1 to i32
            %sign3A_428 = arith.subi %sign3A_424, %sign3A_427 : i32
            %sign3A_429 = arith.constant 0 : i32
            %sign3A_430 = arith.cmpi sgt, %jit3A_420, %sign3A_429 : i32
            %sign3A_431 = arith.extui %sign3A_430 : i1 to i32
            %sign3A_432 = arith.constant 0 : i32
            %sign3A_433 = arith.cmpi slt, %jit3A_420, %sign3A_432 : i32
            %sign3A_434 = arith.extui %sign3A_433 : i1 to i32
            %sign3A_435 = arith.subi %sign3A_431, %sign3A_434 : i32
            %ne3A_436 = arith.cmpi ne, %sign3A_428, %sign3A_435 : i32
            %rem3A_437 = arith.remsi %scan3A_371, %jit3A_420 : i32
            %ne3A_438 = arith.constant 0 : i32
            %ne3A_439 = arith.cmpi ne, %rem3A_437, %ne3A_438 : i32
            %and3A_440 = arith.andi %ne3A_436, %ne3A_439 : i1
            %sub3A_441 = arith.constant 1 : i32
            %sub3A_442 = arith.subi %div3A_421, %sub3A_441 : i32
            %select_n3A_443 = arith.select %and3A_440, %sub3A_442, %div3A_421 : i32
            %while3A_444 = arith.constant 13 : i32
            %while3A_445 = arith.constant 0 : i32
            %while3A_446 = arith.subi %while3A_444, %select_n3A_443 : i32
            %while3A_447 = arith.addi %select_n3A_443, %while3A_446 : i32
            %while3A_448 = arith.constant 1 : i32
            %while3A_449 = arith.divsi %while3A_446, %while3A_448 : i32
            %while3A_450 = arith.muli %while3A_449, %while3A_448 : i32
            %while3A_451 = arith.addi %select_n3A_443, %while3A_450 : i32
            %while3A_452 = arith.constant 1 : i32
            %while3A_453 = scf.for %while3A_456 = %select_n3A_443 to %while3A_451 step %while3A_452 iter_args(%while3A_457 = %while3A_445) -> (i32)  : i32 {
              %mul3A_458 = arith.constant 16 : i32
              %mul3A_459 = arith.muli %while3A_456, %mul3A_458 : i32
              %mul3A_460 = arith.constant 16 : i32
              %mul3A_461 = arith.muli %while3A_456, %mul3A_460 : i32
              %add3A_462 = vector.broadcast %mul3A_461 : i32 to vector<16xi32>
              %add3A_463 = arith.addi %add3A_462, %iota3A : vector<16xi32>
              %get3A = arith.index_cast %mul3A_459 : i32 to index
              %get3A_464 = tpu.vector_load %arg13[%get3A] {strides = array<i32>} : memref<208xf32, #tpu.memory_space<vmem>>, vector<16xf32>,
              %max3A = arith.maximumf %get3A_464, %gather3A_375 : vector<16xf32>
              %get3A_465 = arith.index_cast %mul3A_459 : i32 to index
              %get3A_466 = tpu.vector_load %arg14[%get3A_465] {strides = array<i32>} : memref<208xf32, #tpu.memory_space<vmem>>, vector<16xf32>,
              %max3A_467 = arith.maximumf %get3A_466, %gather3A_376 : vector<16xf32>
              %get3A_468 = arith.index_cast %mul3A_459 : i32 to index
              %get3A_469 = tpu.vector_load %arg15[%get3A_468] {strides = array<i32>} : memref<208xf32, #tpu.memory_space<vmem>>, vector<16xf32>,
              %min3A_470 = arith.minimumf %get3A_469, %gather3A_377 : vector<16xf32>
              %get3A_471 = arith.index_cast %mul3A_459 : i32 to index
              %get3A_472 = tpu.vector_load %arg16[%get3A_471] {strides = array<i32>} : memref<208xf32, #tpu.memory_space<vmem>>, vector<16xf32>,
              %min3A_473 = arith.minimumf %get3A_472, %gather3A_378 : vector<16xf32>
              %sub3A_474 = arith.subf %min3A_470, %max3A : vector<16xf32>
              %max3A_475 = arith.constant 0.000000e+00 : f32
              %max3A_476 = vector.broadcast %max3A_475 : f32 to vector<16xf32>
              %max3A_477 = arith.maximumf %sub3A_474, %max3A_476 : vector<16xf32>
              %sub3A_478 = arith.subf %min3A_473, %max3A_467 : vector<16xf32>
              %max3A_479 = arith.constant 0.000000e+00 : f32
              %max3A_480 = vector.broadcast %max3A_479 : f32 to vector<16xf32>
              %max3A_481 = arith.maximumf %sub3A_478, %max3A_480 : vector<16xf32>
              %mul3A_482 = arith.mulf %max3A_477, %max3A_481 : vector<16xf32>
              %get3A_483 = arith.index_cast %mul3A_459 : i32 to index
              %get3A_484 = tpu.vector_load %arg17[%get3A_483] {strides = array<i32>} : memref<208xf32, #tpu.memory_space<vmem>>, vector<16xf32>,
              %add3A_485 = arith.addf %get3A_484, %gather3A_379 : vector<16xf32>
              %sub3A_486 = arith.subf %add3A_485, %mul3A_482 : vector<16xf32>
              %div3A_487 = arith.divf %mul3A_482, %sub3A_486 : vector<16xf32>
              %gt3A_488 = arith.cmpi sgt, %add3A_463, %broadcast_in_dim3A_373 : vector<16xi32>
              %and3A_489 = arith.andi %and3A_386, %gt3A_488 : vector<16xi1>
              %le3A = arith.constant 4.500000e-01 : f32
              %le3A_490 = vector.broadcast %le3A : f32 to vector<16xf32>
              %le3A_491 = arith.cmpf ole, %div3A_487, %le3A_490 : vector<16xf32>
              %not3A = arith.constant dense<true> : vector<16xi1>
              %not3A_492 = arith.xori %le3A_491, %not3A : vector<16xi1>
              %and3A_493 = arith.andi %and3A_489, %not3A_492 : vector<16xi1>
              %get3A_494 = arith.index_cast %mul3A_459 : i32 to index
              %get3A_495 = tpu.vector_load %arg18[%get3A_494] {strides = array<i32>} : memref<208xi32, #tpu.memory_space<vmem>>, vector<16xi32>,
              %jit3A_496 = arith.constant 1 : i32
              %broadcast_in_dim3A_497 = vector.broadcast %jit3A_496 : i32 to vector<16xi32>
              %select_n3A_498 = arith.select %and3A_493, %broadcast_in_dim3A_497, %get3A_495 : vector<16xi1>, vector<16xi32>
              %swap3A = arith.index_cast %mul3A_459 : i32 to index
              %swap3A_499 = tpu.vector_load %arg18[%swap3A] {strides = array<i32>} : memref<208xi32, #tpu.memory_space<vmem>>, vector<16xi32>,
              tpu.vector_store %arg18[%swap3A], %select_n3A_498 {strides = array<i32>} : memref<208xi32, #tpu.memory_space<vmem>>, vector<16xi32>,
              %while3A_500 = arith.constant 0 : i32
              scf.yield %while3A_500 : i32
            }
            %while3A_454 = arith.constant 1 : i32
            %while3A_455 = scf.for %while3A_456 = %while3A_451 to %while3A_447 step %while3A_454 iter_args(%while3A_457 = %while3A_453) -> (i32)  : i32 {
              %mul3A_458 = arith.constant 16 : i32
              %mul3A_459 = arith.muli %while3A_456, %mul3A_458 : i32
              %mul3A_460 = arith.constant 16 : i32
              %mul3A_461 = arith.muli %while3A_456, %mul3A_460 : i32
              %add3A_462 = vector.broadcast %mul3A_461 : i32 to vector<16xi32>
              %add3A_463 = arith.addi %add3A_462, %iota3A : vector<16xi32>
              %get3A = arith.index_cast %mul3A_459 : i32 to index
              %get3A_464 = tpu.vector_load %arg13[%get3A] {strides = array<i32>} : memref<208xf32, #tpu.memory_space<vmem>>, vector<16xf32>,
              %max3A = arith.maximumf %get3A_464, %gather3A_375 : vector<16xf32>
              %get3A_465 = arith.index_cast %mul3A_459 : i32 to index
              %get3A_466 = tpu.vector_load %arg14[%get3A_465] {strides = array<i32>} : memref<208xf32, #tpu.memory_space<vmem>>, vector<16xf32>,
              %max3A_467 = arith.maximumf %get3A_466, %gather3A_376 : vector<16xf32>
              %get3A_468 = arith.index_cast %mul3A_459 : i32 to index
              %get3A_469 = tpu.vector_load %arg15[%get3A_468] {strides = array<i32>} : memref<208xf32, #tpu.memory_space<vmem>>, vector<16xf32>,
              %min3A_470 = arith.minimumf %get3A_469, %gather3A_377 : vector<16xf32>
              %get3A_471 = arith.index_cast %mul3A_459 : i32 to index
              %get3A_472 = tpu.vector_load %arg16[%get3A_471] {strides = array<i32>} : memref<208xf32, #tpu.memory_space<vmem>>, vector<16xf32>,
              %min3A_473 = arith.minimumf %get3A_472, %gather3A_378 : vector<16xf32>
              %sub3A_474 = arith.subf %min3A_470, %max3A : vector<16xf32>
              %max3A_475 = arith.constant 0.000000e+00 : f32
              %max3A_476 = vector.broadcast %max3A_475 : f32 to vector<16xf32>
              %max3A_477 = arith.maximumf %sub3A_474, %max3A_476 : vector<16xf32>
              %sub3A_478 = arith.subf %min3A_473, %max3A_467 : vector<16xf32>
              %max3A_479 = arith.constant 0.000000e+00 : f32
              %max3A_480 = vector.broadcast %max3A_479 : f32 to vector<16xf32>
              %max3A_481 = arith.maximumf %sub3A_478, %max3A_480 : vector<16xf32>
              %mul3A_482 = arith.mulf %max3A_477, %max3A_481 : vector<16xf32>
              %get3A_483 = arith.index_cast %mul3A_459 : i32 to index
              %get3A_484 = tpu.vector_load %arg17[%get3A_483] {strides = array<i32>} : memref<208xf32, #tpu.memory_space<vmem>>, vector<16xf32>,
              %add3A_485 = arith.addf %get3A_484, %gather3A_379 : vector<16xf32>
              %sub3A_486 = arith.subf %add3A_485, %mul3A_482 : vector<16xf32>
              %div3A_487 = arith.divf %mul3A_482, %sub3A_486 : vector<16xf32>
              %gt3A_488 = arith.cmpi sgt, %add3A_463, %broadcast_in_dim3A_373 : vector<16xi32>
              %and3A_489 = arith.andi %and3A_386, %gt3A_488 : vector<16xi1>
              %le3A = arith.constant 4.500000e-01 : f32
              %le3A_490 = vector.broadcast %le3A : f32 to vector<16xf32>
              %le3A_491 = arith.cmpf ole, %div3A_487, %le3A_490 : vector<16xf32>
              %not3A = arith.constant dense<true> : vector<16xi1>
              %not3A_492 = arith.xori %le3A_491, %not3A : vector<16xi1>
              %and3A_493 = arith.andi %and3A_489, %not3A_492 : vector<16xi1>
              %get3A_494 = arith.index_cast %mul3A_459 : i32 to index
              %get3A_495 = tpu.vector_load %arg18[%get3A_494] {strides = array<i32>} : memref<208xi32, #tpu.memory_space<vmem>>, vector<16xi32>,
              %jit3A_496 = arith.constant 1 : i32
              %broadcast_in_dim3A_497 = vector.broadcast %jit3A_496 : i32 to vector<16xi32>
              %select_n3A_498 = arith.select %and3A_493, %broadcast_in_dim3A_497, %get3A_495 : vector<16xi1>, vector<16xi32>
              %swap3A = arith.index_cast %mul3A_459 : i32 to index
              %swap3A_499 = tpu.vector_load %arg18[%swap3A] {strides = array<i32>} : memref<208xi32, #tpu.memory_space<vmem>>, vector<16xi32>,
              tpu.vector_store %arg18[%swap3A], %select_n3A_498 {strides = array<i32>} : memref<208xi32, #tpu.memory_space<vmem>>, vector<16xi32>,
              %while3A_500 = arith.constant 0 : i32
              scf.yield %while3A_500 : i32
            }
            scf.yield %add3A_419 : vector<16xi32>
          }
          %scan3A_370 = arith.constant 200 : i32
        } else {
        }
        "tpu.region"() ({
          %run_scoped3A = tpu.sem_alloc : memref<!tpu.dma_semaphore, #tpu.memory_space<semaphore_mem>>
          %dma_start3A = arith.constant 0 : i32
          %dma_start3A_60 = tpu.memref_slice %arg19[%dma_start3A] : memref<1008xf32, #tpu.memory_space<vmem>> -> memref<1000xf32, #tpu.memory_space<vmem>>
          %dma_start3A_61 = arith.constant 0 : i32
          %dma_start3A_62 = tpu.memref_slice %arg5[%add3A_14, %dma_start3A_61] : memref<84x1000xf32, #tpu.memory_space<hbm>> -> memref<1x1000xf32, #tpu.memory_space<hbm>>
          %dma_start3A_63 = tpu.memref_squeeze %dma_start3A_62 : memref<1x1000xf32, #tpu.memory_space<hbm>> -> memref<1000xf32, #tpu.memory_space<hbm>>
          %dma_start3A_64 = arith.constant 0 : i32
          %dma_start3A_65 = tpu.memref_slice %arg5[%add3A_14, %dma_start3A_64] : memref<84x1000xf32, #tpu.memory_space<hbm>> -> memref<1x1000xf32, #tpu.memory_space<hbm>>
          %dma_start3A_66 = tpu.memref_squeeze %dma_start3A_65 : memref<1x1000xf32, #tpu.memory_space<hbm>> -> memref<1000xf32, #tpu.memory_space<hbm>>
          %dma_start3A_67 = arith.constant 0 : i32
          %dma_start3A_68 = tpu.memref_slice %arg19[%dma_start3A_67] : memref<1008xf32, #tpu.memory_space<vmem>> -> memref<1000xf32, #tpu.memory_space<vmem>>
          tpu.enqueue_dma source(%dma_start3A_68 : memref<1000xf32, #tpu.memory_space<vmem>>) target(%dma_start3A_66 : memref<1000xf32, #tpu.memory_space<hbm>>) target_semaphore(%run_scoped3A : memref<!tpu.dma_semaphore, #tpu.memory_space<semaphore_mem>>)
          %dma_wait3A = arith.constant 0 : i32
          %dma_wait3A_69 = tpu.memref_slice %arg19[%dma_wait3A] : memref<1008xf32, #tpu.memory_space<vmem>> -> memref<1000xf32, #tpu.memory_space<vmem>>
          %dma_wait3A_70 = arith.constant 0 : i32
          %dma_wait3A_71 = tpu.memref_slice %arg5[%add3A_14, %dma_wait3A_70] : memref<84x1000xf32, #tpu.memory_space<hbm>> -> memref<1x1000xf32, #tpu.memory_space<hbm>>
          %dma_wait3A_72 = tpu.memref_squeeze %dma_wait3A_71 : memref<1x1000xf32, #tpu.memory_space<hbm>> -> memref<1000xf32, #tpu.memory_space<hbm>>
          %dma_wait3A_73 = arith.constant 0 : i32
          %dma_wait3A_74 = tpu.memref_slice %arg5[%add3A_14, %dma_wait3A_73] : memref<84x1000xf32, #tpu.memory_space<hbm>> -> memref<1x1000xf32, #tpu.memory_space<hbm>>
          %dma_wait3A_75 = tpu.memref_squeeze %dma_wait3A_74 : memref<1x1000xf32, #tpu.memory_space<hbm>> -> memref<1000xf32, #tpu.memory_space<hbm>>
          %dma_wait3A_76 = arith.constant 0 : i32
          %dma_wait3A_77 = tpu.memref_slice %arg19[%dma_wait3A_76] : memref<1008xf32, #tpu.memory_space<vmem>> -> memref<1000xf32, #tpu.memory_space<vmem>>
          tpu.wait_dma2 semaphore(%run_scoped3A : memref<!tpu.dma_semaphore, #tpu.memory_space<semaphore_mem>>) src(%dma_wait3A_77 : memref<1000xf32, #tpu.memory_space<vmem>>) dst(%dma_wait3A_75 : memref<1000xf32, #tpu.memory_space<hbm>>)
          tpu.yield
        }) : () -> ()
      } else {
      }
      %scan3A_17 = arith.constant 0 : i32
      scf.yield %scan3A_17 : i32
    }
    %scan3A_9 = arith.constant 3 : i32
    return
  }
}

</mosaic_0001>

<sc_bundles>
// kernel: kernel.3.cloned.1.call-start
scs
__scs_entry_jumppad:
0x0: {  	(pc) =	sbr.rel $0x88, $3  }
0x1: {  	(tag) =	ssettag $0x0;
	lr =	simm.s32 $0x1  }
0x2: {  	[smem:$0x3F9E] =	sst lr;
	_ =	strace $0xD0000000  }
0x3: {  	_ = 	snop  }
0x4: {  	_ = 	snop  }
0x5: {  	_ = 	snop  }
0x6: {  	_ = 	snop  }
0x7: {  	_ = 	snop  }
__scs_overlays_trampoline_lowered:
0x8: {  	[smem:$0x3FAD] =	sst s0  }
0x9: {  	[smem:$0x3FAE] =	sst s1  }
0xa: {  	[smem:$0x3FAF] =	sst s2  }
0xb: {  	[smem:$0x3FB0] =	sst s3  }
0xc: {  	[smem:$0x3FB1] =	sst s4  }
0xd: {  	[smem:$0x3FB2] =	sst s5  }
0xe: {  	[smem:$0x3FB3] =	sst s6  }
0xf: {  	[smem:$0x3FB4] =	sst s7  }
0x10: {  	[smem:$0x3FB5] =	sst s8  }
0x11: {  	[smem:$0x3FB6] =	sst s9;
	s0 =	simm.s32 @!p0 $0x0  }
0x12: {  	s1 =	sld [smem:$0x3F9C];
	s0 =	simm.s32 @p0 $0x1  }
0x13: {  	[smem:$0x3FB7] =	sst s0;
	s0 =	simm.s32 @!p1 $0x0  }
0x14: {  	s2 =	sld [smem:$0x3F9B];
	s0 =	simm.s32 @p1 $0x1  }
0x15: {  	[smem:$0x3FB8] =	sst s0;
	s0 =	simm.s32 @!p2 $0x0  }
0x16: {  	s3 =	sld [smem:$0x3FDB];
	s0 =	simm.s32 @p2 $0x1  }
0x17: {  	s4 =	simm.s32 $0x1BF5;
	[smem:$0x3FBA] =	sst s0  }
0x18: {  	s0 =	sld [smem:$0x3F9D];
	_ =	swait.ge [sflag:s4], $0x0  }
0x19: {  	s7 =	sld [smem:$0x3F9E]  }
0x1a: {  	s8 =	sadd.s32 $0xFFFFE003, lr  }
0x1b: {  	s9 =	sadd.s32 $0xFFFFFEF7, lr;
	s5 =	simm.s32 $0xFFFFFFFF;
	p2 =	slt.u32 s8, $0xFFFFF086  }
0x1c: {  	p1 =	slt.u32 s9, $0xF7A;
	s5 =	simm.s32 @!p2 $0x0  }
0x1d: {  	s5 =	simm.s32 @p1 $0x1;
	p0 =	seq.s32 s7, s2  }
0x1e: {  	s7 =	smul.u32 @!p0 $0xF7A, s2;
	p2 =	seq.s32 @!p0 s5, $0x0  }
0x1f: {  	s9 =	smul.u32 $0xF7A, s1;
	s8 =	simm.s32 @!p0 $0x1BF5;
	p2 =	por !p2, p0  }
0x20: {  	[sflag:s8] =	ssyncset.s32 @!p0 $0xFFFFF086;
	s6 =	sadd.s32 @!p0 s3, s7;
	s7 =	simm.s32 @!p0 $0x108  }
0x21: {  	s3 =	sadd.s32 s3, s9;
	s6 =	sadd.s32 @!p0 $0x88, s6;
	s7 =	simm.s32 @p2 $0x1082  }
0x22: {  	[simem:s7], [sflag:s8] =	dma.local @!p0 [hbm:s6], $0xF7A  }
0x23: {  	s9 =	sor.u32 $0xD0000000, s2;
	s6 =	simm.s32 $0x108;
	_ =	swait.ge @!p0 [sflag:s8], $0x0  }
0x24: {  	s3 =	sadd.s32 $0x88, s3;
	s6 =	simm.s32 @!p1 $0x1082;
	[sflag:s4] =	ssyncset.s32 $0xFFFFF086  }
0x25: {  	[simem:s6], [sflag:s4] =	dma.local [hbm:s3], $0xF7A  }
0x26: {  	[smem:$0x3F9E] =	sst s1;
	(tag) =	ssettag s2;
	_ =	strace s9  }
0x27: {  	s1 =	sld [smem:$0x3FAE]  }
0x28: {  	s2 =	sld [smem:$0x3FAF]  }
0x29: {  	s4 =	sld [smem:$0x3FB1]  }
0x2a: {  	p0 =	seq.s32 s5, $0x0;
	s5 =	sld [smem:$0x3FB2]  }
0x2b: {  	s6 =	sld [smem:$0x3FB3]  }
0x2c: {  	s7 =	sld [smem:$0x3FB4]  }
0x2d: {  	s3 =	simm.s32 $0x108;
	s8 =	sld [smem:$0x3FB5]  }
0x2e: {  	s3 =	simm.s32 @!p0 $0x1082;
	s9 =	sld [smem:$0x3FB6]  }
0x2f: {  	lr =	sadd.s32 s0, s3;
	s0 =	sld [smem:$0x3FAD]  }
0x30: {  	s3 =	sld [smem:$0x3FB0]  }
0x31: {  	[smem:$0x3FB9] =	sst s10  }
0x32: {  	s10 =	sld [smem:$0x3FB7];
	_ =	sdelay $0x3  }
0x33: {  	p0 =	seq.s32 s10, $0x1;
	s10 =	sld [smem:$0x3FB9];
	_ =	sdelay $0x3  }
0x34: {  	[smem:$0x3FB9] =	sst s10  }
0x35: {  	s10 =	sld [smem:$0x3FB8];
	_ =	sdelay $0x3  }
0x36: {  	p1 =	seq.s32 s10, $0x1;
	s10 =	sld [smem:$0x3FB9];
	_ =	sdelay $0x3  }
0x37: {  	[smem:$0x3FB9] =	sst s10  }
0x38: {  	s10 =	sld [smem:$0x3FBA]  }
0x39: {  	_ = 	snop;
	(pc) =	sbr.ind lr, $3  }
0x3a: {  	_ = 	snop  }
0x3b: {  	_ = 	snop  }
0x3c: {  	p2 =	seq.s32 s10, $0x1;
	s10 =	sld [smem:$0x3FB9]  }
0x3d: {  	_ =	shalt  }
0x3e: {  	_ =	shalt  }
0x3f: {  	_ =	shalt  }
0x40: {  	_ =	shalt  }
0x41: {  	_ =	shalt  }
0x42: {  	_ =	shalt  }
0x43: {  	_ =	shalt  }
0x44: {  	_ =	shalt  }
0x45: {  	_ =	shalt  }
0x46: {  	_ =	shalt  }
0x47: {  	_ =	shalt  }
0x48: {  	_ =	shalt  }
0x49: {  	_ =	shalt  }
0x4a: {  	_ =	shalt  }
0x4b: {  	_ =	shalt  }
0x4c: {  	_ =	shalt  }
0x4d: {  	_ =	shalt  }
0x4e: {  	_ =	shalt  }
0x4f: {  	_ =	shalt  }
0x50: {  	_ =	shalt  }
0x51: {  	_ =	shalt  }
0x52: {  	_ =	shalt  }
0x53: {  	_ =	shalt  }
0x54: {  	_ =	shalt  }
0x55: {  	_ =	shalt  }
0x56: {  	_ =	shalt  }
0x57: {  	_ =	shalt  }
0x58: {  	_ =	shalt  }
0x59: {  	_ =	shalt  }
0x5a: {  	_ =	shalt  }
0x5b: {  	_ =	shalt  }
0x5c: {  	_ =	shalt  }
0x5d: {  	_ =	shalt  }
0x5e: {  	_ =	shalt  }
0x5f: {  	_ =	shalt  }
0x60: {  	_ =	shalt  }
0x61: {  	_ =	shalt  }
0x62: {  	_ =	shalt  }
0x63: {  	_ =	shalt  }
0x64: {  	_ =	shalt  }
0x65: {  	_ =	shalt  }
0x66: {  	_ =	shalt  }
0x67: {  	_ =	shalt  }
0x68: {  	_ =	shalt  }
0x69: {  	_ =	shalt  }
0x6a: {  	_ =	shalt  }
0x6b: {  	_ =	shalt  }
0x6c: {  	_ =	shalt  }
0x6d: {  	_ =	shalt  }
0x6e: {  	_ =	shalt  }
0x6f: {  	_ =	shalt  }
0x70: {  	_ =	shalt  }
0x71: {  	_ =	shalt  }
0x72: {  	_ =	shalt  }
0x73: {  	_ =	shalt  }
0x74: {  	_ =	shalt  }
0x75: {  	_ =	shalt  }
0x76: {  	_ =	shalt  }
0x77: {  	_ =	shalt  }
0x78: {  	_ =	shalt  }
0x79: {  	_ =	shalt  }
0x7a: {  	_ =	shalt  }
0x7b: {  	_ =	shalt  }
0x7c: {  	_ =	shalt  }
0x7d: {  	_ =	shalt  }
0x7e: {  	_ =	shalt  }
0x7f: {  	_ =	shalt  }
0x80: {  	_ =	shalt  }
0x81: {  	_ =	shalt  }
0x82: {  	_ =	shalt  }
0x83: {  	_ =	shalt  }
0x84: {  	_ =	shalt  }
0x85: {  	_ =	shalt  }
0x86: {  	_ =	shalt  }
0x87: {  	_ =	shalt  }
.Lfunc_end0:
.L_simem_size_0:
called_computation_lowered:
.L_overlay_start_0:
0x88: {  	s2 =	sld [smem:$0x3FD9]  }
0x89: {  	s3 =	sld [smem:$0x3FFE];
	_ =	sdelay $0x1  }
0x8a: {  	s1 =	srdreg.scid  }
0x8b: {  	s0 =	sand.u32 $0x1, s1  }
0x8c: {  	s17 =	sshll.u32 s0, $0xA;
	s2 =	sadd.s32 s3, s2  }
0x8d: {  	s2 =	sadd.s32 s2, s17  }
0x8e: {  	[smem:$0x3FC5] =	sst s2  }
0x8f: {  	_ = 	snop  }
0x90: {  	s2 =	sld [smem:$0x3FD0];
	(tm) =	ssettm $0x1  }
0x91: {  	s18 =	sld [smem:$0x3FFB];
	_ =	sdelay $0x3  }
0x92: {  	_ =	strace s18  }
0x93: {  	s3 =	sld [smem:$0x3FFC];
	_ =	sdelay $0x3  }
0x94: {  	_ =	strace s3  }
0x95: {  	s3 =	sld [smem:$0x3FFD];
	_ =	sdelay $0x3  }
0x96: {  	_ =	strace s3  }
0x97: {  	_ =	strace $0x8FFFFFFF  }
0x98: {  	s19 =	sld [smem:$0x3FDB];
	_ =	sdelay $0x1  }
0x99: {  	s4 =	simm.s32 $_scs_section_size  }
0x9a: {  	s5 =	simm.s32 $_size__tile_overlayer_lowered;
	s6 =	simm.s32 $_tile_overlayer_lowered  }
0x9b: {  	s22 =	simm.s32 $0x1BFF;
	s21 =	sshll.u32 s6, $0x1;
	s3 =	sadd.s32 s4, s19  }
0x9c: {  	s7 =	simm.s32 $0x0;
	s20 =	sshll.u32 s5, $0x1;
	s5 =	sadd.s32 s21, s3  }
0x9d: {  	[timem:s7], [sflag:s22] =	dma.local [hbm:s5], s20  }
0x9e: {  	_ =	swait.ge [sflag:s22], s20  }
0x9f: {  	s4 =	ssub.s32 $0x0, s20;
	[sflag:s22] =	ssyncset.done $0x0  }
0xa0: {  	[sflag:s22] =	ssyncadd.s32 s4;
	_ =	sdelay $0x1  }
0xa1: {  	s23 =	simm.s32 $0x1B8B  }
0xa2: {  	_ =	swait.ge [sflag:s23], $0x1  }
0xa3: {  	[sflag:s23] =	ssyncset.done $0x0  }
0xa4: {  	s25 =	simm.s32 $0x1B8E;
	s24 =	sld [smem:$0x3FFE];
	[sflag:s23] =	ssyncadd.s32 $0xFFFFFFFF  }
0xa5: {  	s26 =	simm.s32 $execute0_lowered;
	[smem:$0x3FD2] =	sst s25  }
0xa6: {  	s5 =	sshll.u32 s26, $0x1;
	_ =	strace $0x80000046;
	[dreg:$0x1] =	wrdreg $0xFFFFFFFF  }
0xa7: {  	s28 =	simm.s32 $_size_execute0_lowered;
	s3 =	sadd.s32 s3, s5;
	[dreg:$0x0] =	wrdreg $0x0  }
0xa8: {  	s5 =	sshll.u32 s28, $0x1;
	[dreg:$0x2] =	wrdreg s3  }
0xa9: {  	[dreg:$0x3] =	wrdreg s5  }
0xaa: {  	[dreg:$0x4] =	wrdreg $0xC0  }
0xab: {  	_ =	task [dreg:s7], $0x5FFFF  }
0xac: {  	[dreg:$0x1] =	wrdreg $0xFFFFFFFF  }
0xad: {  	[dreg:$0x0] =	wrdreg $0x60  }
0xae: {  	[dreg:$0x2] =	wrdreg s24  }
0xaf: {  	[dreg:$0x3] =	wrdreg s2  }
0xb0: {  	[dreg:$0x4] =	wrdreg $0x9  }
0xb1: {  	_ =	task.clear_ibuf [dreg:s7], $0x5FFFF;
	_ =	strace $0x90000046  }
0xb2: {  	s29 =	simm.s32 $0x9;
	_ =	strace $0x80000048  }
0xb3: {  	_ =	swait.ge [sflag:s29], $0x1  }
0xb4: {  	[sflag:s29] =	ssyncadd.s32 $0xFFFFFFFF  }
0xb5: {  	_ =	strace $0x90000048  }
0xb6: {  	_ =	sfence  }
0xb7: {  	s30 =	sld [smem:$0x0];
	_ =	sdelay $0x2  }
0xb8: {  	s31 =	sshll.u32 s1, $0xD;
	s1 =	sshrl.u32 s1, $0x2  }
0xb9: {  	s3 =	sand.u32 $0x4000, s31;
	s1 =	sadd.s32 s1, s30  }
0xba: {  	s0 =	sor.u32 s3, s0;
	s1 =	sshll.u32 s1, $0x11  }
0xbb: {  	s0 =	sor.u32 s1, s0  }
0xbc: {  	s0 =	sadd.s32 $0x8F2B, s0  }
0xbd: {  	[sflag:s0] =	ssyncadd.remote.s32 $0x1  }
0xbe: {  	_ =	sfence.sel $0xFFFF  }
0xbf: {  	[dreg:$0x0] =	wrdreg $0xFFFFFFFF;
	(pc) =	sbr.abs _section_cstart, $3  }
0xc0: {  	[dreg:$0x1] =	wrdreg $0xFFFFFFFF  }
0xc1: {  	_ =	task.clear_ibuf [dreg:s7], $0x2FFFF;
	_ =	strace $0x9FFFFFFF  }
0xc2: {  	(tm) =	ssettm $0x7FFFFFFF  }
0xc3: {  	_ =	shalt  }
tec
execute0_lowered:
.L_overlay_start_1:
0x0: {  	(tag) =	ssettag $0x1  }
0x1: {  	s0 =	rddreg [dreg:$0x0];
	s2 =	simm.s32 $0x0;
	s1 =	srdreg.scid  }
0x2: {  	s5 =	stileid.u32;
	s13 =	simm.s32 $0x14580;
	s14 =	simm.s32 $0x3  }
0x3: {  	s16 =	simm.s32 $0x4E20;
	s17 =	simm.s32 $0x9C40;
	[smem:$0x7FF] =	sst s2  }
0x4: {  	v0 =	vimm.f32 $2.000000000e+00;
	s18 =	simm.s32 $0x1;
	s19 =	simm.s32 $0xEA60;
	_ =	strace $0x80000047  }
0x5: {  	s20 =	simm.s32 $0x13880;
	s21 =	simm.s32 $0x13950;
	s28 =	simm.s32 $0x14240;
	(erf) = vrcp.f32 v0  }
0x6: {  	s29 =	simm.s32 $0x14310;
	s30 =	simm.s32 $0x143E0;
	s22 =	sadd.s32 $0x800, s0  }
0x7: {  	s3 =	sand.u32 $0x1, s1;
	s4 =	sadd.s32 $0x3DC00, s0;
	[dreg:$0x3] =	wrdreg s22  }
0x8: {  	s6 =	sadd.s32 $0x33E00, s0;
	s25 =	sadd.s32 $0x3E5C4, s0;
	[dreg:$0x4] =	wrdreg s4  }
0x9: {  	s26 =	sadd.s32 $0x3EF88, s0;
	s0 =	sadd.s32 $0x3F94C, s0;
	[dreg:$0x5] =	wrdreg s25  }
.Ltmp0:
0xa: {  	s23 =	ssub.s32 $0x2, s3;
	[dreg:$0x6] =	wrdreg s26;
	(pc) =	sbr.rel .LBB2_1-.Ltmp0, $4  }
0xb: {  	s8 =	sshll.u32 s5, $0x1;
	[dreg:$0x7] =	wrdreg s0;
	s24 =	sshrl.u32 s23, $0x1  }
0xc: {  	v1 =	vimm.s32 $0x0;
	s22 =	simm.s32 $0x14970;
	s25 =	simm.s32 $0x140A0;
	s1 =	ssub.s32 s23, s24  }
0xd: {  	v2 =	vlaneseq.u32;
	v3 =	vimm.f32 $-Inf;
	vm0 =	vcmask $0x3F10;
	s26 =	simm.s32 $0x14170;
	s23 =	simm.s32 $0x2;
	s31 =	smax.u32 s1, $0x1  }
0xe: {  	vm1 =	vcmask $0x3F0C;
	vm2 =	vcmask $0x3F08;
	v0 =	vimm.f32 $0.0e+00;
	s24 =	simm.s32 $0x144B0;
	s1 =	simm.s32 $0x0;
	[dreg:$0x8] =	wrdreg s31;
	v4 =	vpop (erf)  }
.LBB2_34:
0xf: {  	s1 =	rddreg [dreg:$0x9]  }
0x10: {  	s0 =	rddreg [dreg:$0x8];
	s1 =	sadd.s32 $0x1, s1  }
0x11: {  	p0 =	sne.s32 s1, s0  }
.Ltmp1:
0x12: {  	_ = 	snop;
	(pc) =	sbr.rel @!p0 .LBB2_35-.Ltmp1, $1  }
0x13: {  	_ =	sdelay $0x3  }
.LBB2_1:
.Ltmp2:
0x14: {  	(pc) =	sbr.rel .LBB2_2-.Ltmp2, $2  }
0x15: {  	_ =	sdelay $0x2  }
0x16: {  	[dreg:$0x9] =	wrdreg s1;
	s0 =	simm.s32 $0x0  }
.LBB2_32:
0x17: {  	s1 =	smul.u32 $0x7D, s5  }
0x18: {  	s4 =	rddreg [dreg:$0x1]  }
0x19: {  	s1 =	sadd.s32 s4, s1  }
0x1a: {  	[hbm4b:s1+s2] =	stream.linear.scatter [tilespmem:s13], [sflag:$0x3], $0x3E8, $0x38;
	[tilespmem:$0x19790] =	vst v63  }
0x1b: {  	_ =	swait.ge [sflag:s14], $0x3E8  }
0x1c: {  	[sflag:s14] =	ssyncset.done $0x0  }
0x1d: {  	[sflag:s14] =	ssyncadd.s32 $0xFFFFFC18  }
.LBB2_33:
0x1e: {  	s0 =	sadd.s32 $0x1, s0  }
0x1f: {  	p0 =	sne.s32 s0, $0x3  }
.Ltmp3:
0x20: {  	_ = 	snop;
	(pc) =	sbr.rel @!p0 .LBB2_34-.Ltmp3, $1  }
0x21: {  	_ =	sdelay $0x3  }
.LBB2_2:
0x22: {  	s1 =	sshll.u32 s0, $0x5  }
0x23: {  	s1 =	sor.u32 s8, s1  }
0x24: {  	p0 =	sgt.u32 s1, $0x53  }
.Ltmp4:
0x25: {  	_ = 	snop;
	(pc) =	sbr.rel @p0 .LBB2_33-.Ltmp4, $1  }
0x26: {  	_ =	sdelay $0x3  }
0x27: {  	s5 =	sor.u32 s3, s1;
	s1 =	simm.s32 $0x40;
	s4 =	simm.s32 $0x0  }
.LBB2_4:
0x28: {  	p0 =	sne.s32 s1, $0xF80;
	[tilespmem:s4+$0x14580] =	vst v0;
	s4 =	smov.u32 s1;
	s1 =	sadd.s32 $0x40, s1  }
.Ltmp5:
0x29: {  	(pc) =	sbr.rel @p0 .LBB2_4-.Ltmp5, $2  }
0x2a: {  	_ =	sdelay $0x2  }
0x2b: {  	s4 =	sshra.s32 s4, $0x2  }
0x2c: {  	s1 =	smul.u32 $0x3CF3CF3D, s5;
	_ =	sdelay $0x1  }
0x2d: {  	p0 =	slt.u32 s1, $0xC30C30D  }
.Ltmp6:
0x2e: {  	_ = 	snop;
	(pc) =	sbr.rel @p0 .LBB2_32-.Ltmp6, $2  }
0x2f: {  	_ =	sdelay $0x2  }
0x30: {  	[tilespmem:s4+$0x14580] =	vst v0  }
0x31: {  	s1 =	smul.u32 $0x9C4, s5  }
0x32: {  	s4 =	rddreg [dreg:$0x3]  }
0x33: {  	s12 =	simm.s32 $0x4;
	s1 =	sadd.s32 s4, s1  }
0x34: {  	[tilespmem:s2], [sflag:$0x4] =	stream.linear.gather [hbm4b:s1+s2], $0x4E20, $0x38;
	[tilespmem:$0x19790] =	vst v63  }
0x35: {  	_ =	swait.ge [sflag:s12], $0x4E20  }
0x36: {  	[sflag:s12] =	ssyncset.done $0x0  }
0x37: {  	s1 =	simm.s32 $0x10;
	[sflag:s12] =	ssyncadd.s32 $0xFFFFB1E0  }
0x38: {  	v5 =	vld [tilespmem:s1+$0xFFFFFFF0];
	_ =	sdelay $0x1  }
0x39: {  	v7 =	vld [tilespmem:s1+$0x0];
	_ =	sdelay $0x2  }
0x3a: {  	vm4 =	vgt.f32 v5, $9.499999880e-01  }
0x3b: {  	v6 =	vsel vm4, $0x1, v1  }
0x3c: {  	vm3 =	vgt.f32 v7, $9.499999880e-01;
	(xrf0) =	vadd.scan.msk.s32 $0xffff, v6  }
0x3d: {  	v6 =	vsel vm3, $0x1, v1  }
0x3e: {  	(xrf0) =	vadd.scan.msk.s32 $0xffff, v6;
	_ =	sdelay $0x2  }
0x3f: {  	v6 =	vimm.s32 $0x0  }
0x40: {  	v8 =	vmpcnt.ones.xlane vm4;
	v9, _, _ =	vpop (xrf0)  }
0x41: {  	v9 =	vadd.s32 v9, v6  }
0x42: {  	v8 =	vadd.s32 v6, v8;
	v6, _, _ =	vpop (xrf0);
	v9 =	vadd.s32 $0xFFFFFFFF, v9  }
0x43: {  	v6 =	vadd.s32 v6, v8  }
0x44: {  	v6 =	vadd.s32 $0xFFFFFFFF, v6;
	_ =	sdelay $0x1  }
0x45: {  	s15 =	simm.s32 $0x0  }
0x46: {  	s7 =	smulhi.u32 $0x30C30C31, s5;
	v10 =	vmpcnt.ones.xlane vm3;
	[tilespmem:v9+s16+$0x0] =	vst.idx.msk vm4, v5;
	v5 =	vor.u32 s15, v2  }
0x47: {  	[tilespmem:v9+s17+$0x0] =	vst.idx.msk vm4, v5  }
0x48: {  	s31 =	sshrl.u32 s7, $0x2;
	s4 =	simm.s32 $0x30;
	v5 =	vadd.s32 v10, v8;
	[tilespmem:v6+s16+$0x0] =	vst.idx.msk vm3, v7;
	v7 =	vor.u32 s1, v2  }
.LBB2_7:
0x49: {  	p0 =	sne.s32 s4, $0x4E10  }
0x4a: {  	[tilespmem:v6+s17+$0x0] =	vst.idx.msk vm3, v7;
	s1 =	sadd.s32 $0x20, s1;
	s7 =	smov.u32 s4;
	s4 =	sadd.s32 $0x20, s4  }
0x4b: {  	v7 =	vld [tilespmem:s1+$0xFFFFFFF0];
	_ =	sdelay $0x1  }
0x4c: {  	v8 =	vld [tilespmem:s1+$0x0];
	_ =	sdelay $0x2  }
0x4d: {  	vm4 =	vgt.f32 v7, $9.499999880e-01  }
0x4e: {  	v6 =	vmpcnt.ones.xlane vm4;
	v9 =	vsel vm4, $0x1, v1  }
0x4f: {  	vm3 =	vgt.f32 v8, $9.499999880e-01;
	(xrf0) =	vadd.scan.msk.s32 $0xffff, v9  }
0x50: {  	v9 =	vsel vm3, $0x1, v1  }
0x51: {  	(xrf0) =	vadd.scan.msk.s32 $0xffff, v9;
	_ =	sdelay $0x3  }
0x52: {  	v9, _, _ =	vpop (xrf0)  }
0x53: {  	v10 =	vmpcnt.ones.xlane vm3;
	v9 =	vadd.s32 v9, v5  }
0x54: {  	v5 =	vadd.s32 v5, v6;
	v9 =	vadd.s32 $0xFFFFFFFF, v9;
	v6, _, _ =	vpop (xrf0)  }
0x55: {  	v6 =	vadd.s32 v6, v5;
	v5 =	vadd.s32 v10, v5  }
0x56: {  	v6 =	vadd.s32 $0xFFFFFFFF, v6  }
.Ltmp7:
0x57: {  	(pc) =	sbr.rel @p0 .LBB2_7-.Ltmp7, $4  }
0x58: {  	s9 =	sadd.s32 $0xFFFFFFF0, s7  }
0x59: {  	[tilespmem:v9+s16+$0x0] =	vst.idx.msk vm4, v7;
	v7 =	vor.u32 s9, v2  }
0x5a: {  	[tilespmem:v9+s17+$0x0] =	vst.idx.msk vm4, v7  }
0x5b: {  	v7 =	vor.u32 s7, v2;
	[tilespmem:v6+s16+$0x0] =	vst.idx.msk vm3, v8  }
0x5c: {  	v8 =	vxor.u32 $0x80000000, v5  }
0x5d: {  	(xrf0) =	vmax.scan.msk.u32 $0xffff, v8;
	_ =	sdelay $0x5  }
0x5e: {  	v8, _, _ =	vpop (xrf0)  }
0x5f: {  	(v2sf) =	vpush v8, $0xF;
	_ =	sdelay $0xe  }
0x60: {  	s1 =	spop (v2sf)  }
0x61: {  	v5 =	vadd.s32 v2, v5;
	s1 =	sadd.s32 $0x8000000F, s1  }
0x62: {  	vm4 =	vlt.s32 v5, $0x4E1F;
	vm5 =	vlt.s32 v5, $0x4E20;
	s4 =	sand.u32 $0xF, s1  }
0x63: {  	v5 =	vnsel vm4, $0x4E1F, v5;
	s15 =	sshra.s32 s1, $0x1F;
	p1 =	slt.s32 s1, $0x1;
	p0 =	sne.s32 s4, $0x0  }
0x64: {  	s4 =	sshrl.u32 s15, $0x1C;
	p0 =	por !p1, !p0  }
0x65: {  	s1 =	sadd.s32 s4, s1;
	s4 =	simm.s32 $0x1;
	p0 =	por !p0, !p0  }
0x66: {  	s1 =	sshra.s32 s1, $0x4;
	s4 =	simm.s32 @!p0 $0x0  }
0x67: {  	[tilespmem:v6+s17+$0x0] =	vst.idx.msk vm3, v7;
	s1 =	ssub.s32 s1, s4  }
0x68: {  	v6 =	vimm.f32 $1.000000000e+00;
	[tilespmem:v5+s16+$0x0] =	vst.idx.msk vm5, v3;
	v5 =	vimm.f32 $9.499999880e-01;
	s4 =	simm.s32 $0x0;
	p1 =	slt.s32 s1, $0x1  }
.LBB2_9:
0x69: {  	s4 =	sadd.s32 $0x1, s4  }
.LBB2_10:
.Ltmp8:
0x6a: {  	(pc) =	sbr.rel @!p1 .LBB2_11-.Ltmp8, $3  }
0x6b: {  	_ = 	snop  }
0x6c: {  	v7 =	vadd.f32 v6, v5;
	_ =	sdelay $0x1  }
0x6d: {  	v7 =	vmul.f32 $5.000000000e-01, v7  }
0x6e: {  	s4 =	sadd.s32 $0x1, s4  }
0x6f: {  	p0 =	seq.s32 s4, $0x19  }
.Ltmp9:
0x70: {  	_ = 	snop;
	(pc) =	sbr.rel @!p0 .LBB2_10-.Ltmp9, $4  }
.Ltmp10:
0x71: {  	_ = 	snop;
	(pc) =	sbr.rel @p0 .LBB2_18-.Ltmp10, $4  }
0x72: {  	_ = 	snop  }
0x73: {  	_ = 	snop  }
0x74: {  	v6 =	vmov v7  }
0x75: {  	_ = 	snop  }
.LBB2_11:
0x76: {  	s7 =	simm.s32 $0x4E20  }
0x77: {  	p0 =	sne.s32 s1, $0x1;
	v9 =	vld [tilespmem:s7+$0x0]  }
.Ltmp11:
0x78: {  	_ = 	snop;
	(pc) =	sbr.rel @!p0 .LBB2_13-.Ltmp11, $2  }
0x79: {  	_ =	sdelay $0x2  }
0x7a: {  	v8 =	vimm.s32 $0x0;
	s9 =	simm.s32 $0x4E30;
	s7 =	sadd.s32 $0xFFFFFFFF, s1;
	vm3 =	vgt.f32 v9, v7  }
.LBB2_12:
0x7b: {  	v9 =	vld [tilespmem:s9+$0x0];
	p2 =	sne.s32 s7, $0x1;
	s7 =	sadd.s32 $0xFFFFFFFF, s7;
	v10 =	vmpcnt.ones.xlane vm3  }
.Ltmp12:
0x7c: {  	(pc) =	sbr.rel @p2 .LBB2_12-.Ltmp12, $2  }
0x7d: {  	v8 =	vadd.s32 v8, v10;
	_ =	sdelay $0x2  }
0x7e: {  	s9 =	sadd.s32 $0x10, s9;
	vm3 =	vgt.f32 v9, v7  }
.LBB2_13:
0x7f: {  	p2 =	seq.s32 s4, $0x18  }
.Ltmp13:
0x80: {  	v9 =	vmpcnt.ones.xlane vm3;
	(pc) =	sbr.rel @!p2 .LBB2_9-.Ltmp13, $4  }
0x81: {  	_ = 	snop  }
0x82: {  	v8 =	vadd.s32 v8, v9  }
0x83: {  	vm3 =	vgt.s32 v8, $0xC7  }
0x84: {  	v5 =	vsel vm3, v7, v5;
	v6 =	vsel vm3, v6, v7  }
0x85: {  	s4 =	simm.s32 $0x4E20  }
0x86: {  	v8 =	vld [tilespmem:s4+$0x0];
	_ =	sdelay $0x4  }
0x87: {  	vm3 =	vgt.f32 v8, v5  }
0x88: {  	v7 =	vsel vm3, $0x1, v1  }
0x89: {  	(xrf0) =	vadd.scan.msk.s32 $0xffff, v7;
	_ =	sdelay $0x5  }
0x8a: {  	v6 =	vimm.s32 $0x0;
	v7, _, _ =	vpop (xrf0)  }
0x8b: {  	v7 =	vadd.s32 v7, v6  }
0x8c: {  	v7 =	vadd.s32 $0xFFFFFFFF, v7;
	_ =	sdelay $0x1  }
.Ltmp14:
0x8d: {  	_ = 	snop;
	(pc) =	sbr.rel @!p0 .LBB2_16-.Ltmp14, $4  }
0x8e: {  	_ = 	snop  }
0x8f: {  	v9 =	vmpcnt.ones.xlane vm3  }
0x90: {  	s7 =	simm.s32 $0x9C40;
	[tilespmem:v7+s2+$0x0] =	vst.idx.msk vm3, v8  }
0x91: {  	s1 =	sadd.s32 $0xFFFFFFFF, s1;
	v6 =	vadd.s32 v6, v9;
	v8 =	vld [tilespmem:s7+$0x0]  }
.LBB2_15:
0x92: {  	_ =	sdelay $0x3  }
0x93: {  	p0 =	sne.s32 s1, $0x1;
	s4 =	sadd.s32 $0x10, s4;
	s7 =	sadd.s32 $0x10, s7;
	[tilespmem:v7+s19+$0x0] =	vst.idx.msk vm3, v8;
	v7 =	vmov v6  }
0x94: {  	s1 =	sadd.s32 $0xFFFFFFFF, s1;
	v8 =	vld [tilespmem:s4+$0x0];
	_ =	sdelay $0x4  }
0x95: {  	vm3 =	vgt.f32 v8, v5  }
0x96: {  	v9 =	vsel vm3, $0x1, v1;
	v10 =	vmpcnt.ones.xlane vm3  }
0x97: {  	(xrf0) =	vadd.scan.msk.s32 $0xffff, v9  }
0x98: {  	v6 =	vadd.s32 v6, v10;
	_ =	sdelay $0x4  }
0x99: {  	v9, _, _ =	vpop (xrf0)  }
0x9a: {  	v7 =	vadd.s32 v9, v7  }
0x9b: {  	v7 =	vadd.s32 $0xFFFFFFFF, v7;
	_ =	sdelay $0x1  }
.Ltmp15:
0x9c: {  	(pc) =	sbr.rel @p0 .LBB2_15-.Ltmp15, $3  }
0x9d: {  	_ =	sdelay $0x1  }
0x9e: {  	[tilespmem:v7+s2+$0x0] =	vst.idx.msk vm3, v8  }
0x9f: {  	v8 =	vld [tilespmem:s7+$0x0]  }
.LBB2_16:
0xa0: {  	_ = 	snop  }
.Ltmp16:
0xa1: {  	_ = 	snop;
	(pc) =	sbr.rel .LBB2_19-.Ltmp16, $2  }
0xa2: {  	_ =	sdelay $0x2  }
0xa3: {  	[tilespmem:v7+s19+$0x0] =	vst.idx.msk vm3, v8  }
.LBB2_18:
0xa4: {  	v6 =	vimm.s32 $0x0  }
.LBB2_19:
0xa5: {  	v5 =	vxor.u32 $0x80000000, v6  }
0xa6: {  	(xrf0) =	vmax.scan.msk.u32 $0xffff, v5;
	_ =	sdelay $0x5  }
0xa7: {  	v5, _, _ =	vpop (xrf0)  }
0xa8: {  	(v2sf) =	vpush v5, $0xF;
	_ =	sdelay $0xe  }
0xa9: {  	s1 =	spop (v2sf)  }
0xaa: {  	v5 =	vadd.s32 v2, v6;
	s1 =	sadd.s32 $0x8000000F, s1  }
0xab: {  	vm3 =	vlt.s32 v5, $0x4E1F;
	vm4 =	vlt.s32 v5, $0x4E20;
	s4 =	sand.u32 $0xF, s1  }
0xac: {  	v5 =	vnsel vm3, $0x4E1F, v5;
	s7 =	sshra.s32 s1, $0x1F;
	p0 =	slt.s32 s1, $0x1;
	p1 =	sne.s32 s4, $0x0  }
.Ltmp17:
0xad: {  	s15 =	sshrl.u32 s7, $0x1C;
	p0 =	por !p0, !p1;
	(pc) =	sbr.rel .LBB2_20-.Ltmp17, $4  }
0xae: {  	s4 =	simm.s32 $0x1;
	s1 =	sadd.s32 s15, s1;
	p0 =	por !p0, !p0  }
0xaf: {  	s1 =	sshra.s32 s1, $0x4;
	s4 =	simm.s32 @!p0 $0x0  }
0xb0: {  	s1 =	ssub.s32 s1, s4;
	s4 =	simm.s32 $0x0  }
0xb1: {  	s7 =	simm.s32 $0x0;
	[tilespmem:v5+s4+$0x0] =	vst.idx.msk vm4, v3;
	p0 =	slt.s32 s1, $0x1  }
.LBB2_21:
0xb2: {  	v6 =	vimm.s32 $0x80000000  }
.LBB2_25:
0xb3: {  	(xrf0) =	vmax.scan.msk.f32 $0xffff, v5;
	_ =	sdelay $0x5  }
0xb4: {  	v7, _, _ =	vpop (xrf0)  }
0xb5: {  	v7 =	vbroadcast v7, $0xF;
	_ =	sdelay $0x1  }
0xb6: {  	vm3 =	veq.f32 v5, v7  }
0xb7: {  	v5 =	vnsel vm3, $0x7FFFFFFF, v6  }
0xb8: {  	(xrf0) =	vmax.scan.msk.u32 $0xffff, v5;
	_ =	sdelay $0x5  }
0xb9: {  	v5, _, _ =	vpop (xrf0)  }
0xba: {  	(v2sf) =	vpush v5, $0xF;
	_ =	sdelay $0xe  }
0xbb: {  	s9 =	spop (v2sf)  }
0xbc: {  	s9 =	sxor.u32 $0x80000000, s9  }
0xbd: {  	p1 =	sgt.s32 s9, $0x0  }
0xbe: {  	s9 =	simm.s32 @!p1 $0x0  }
0xbf: {  	v5 =	vmov s9  }
0xc0: {  	v5 =	vbroadcast v5, $0x0;
	_ =	sdelay $0x4  }
0xc1: {  	v6 =	vmov s7  }
0xc2: {  	s7 =	sadd.s32 $0x1, s7;
	v8 =	vld.idx.msk [tilespmem:v5+s19+$0x0], $0xffff  }
0xc3: {  	p1 =	sne.s32 s7, $0xC8  }
.Ltmp18:
0xc4: {  	_ = 	snop;
	(pc) =	sbr.rel @!p1 .LBB2_26-.Ltmp18, $4  }
0xc5: {  	_ = 	snop  }
0xc6: {  	[tilespmem:v6+s20+$0x0] =	vst.idx.msk $0x1, v7  }
0xc7: {  	[tilespmem:v6+s21+$0x0] =	vst.idx.msk $0x1, v8  }
0xc8: {  	[tilespmem:v5+s2+$0x0] =	vst.idx.msk $0x1, v3  }
.LBB2_20:
.Ltmp19:
0xc9: {  	(pc) =	sbr.rel @p0 .LBB2_21-.Ltmp19, $2  }
0xca: {  	_ =	sdelay $0x2  }
0xcb: {  	v5 =	vimm.f32 $-Inf;
	v6 =	vimm.s32 $0x0  }
0xcc: {  	v7 =	vld [tilespmem:s4+$0x0];
	p1 =	sne.s32 s1, $0x1  }
.Ltmp20:
0xcd: {  	_ = 	snop;
	(pc) =	sbr.rel @!p1 .LBB2_24-.Ltmp20, $2  }
0xce: {  	_ =	sdelay $0x2  }
0xcf: {  	s9 =	sadd.s32 $0xFFFFFFFF, s1;
	v8 =	vor.u32 s4, v2;
	s10 =	sadd.s32 $0x10, s4;
	s11 =	simm.s32 $0x0;
	vm3 =	vge.f32 v7, v5  }
.LBB2_23:
0xd0: {  	p1 =	sne.s32 s9, $0x1;
	s9 =	sadd.s32 $0xFFFFFFFF, s9;
	v5 =	vsel vm3, v7, v5;
	v7 =	vld [tilespmem:s10+$0x0];
	v6 =	vsel vm3, v8, v6  }
.Ltmp21:
0xd1: {  	(pc) =	sbr.rel @p1 .LBB2_23-.Ltmp21, $3  }
0xd2: {  	_ =	sdelay $0x1  }
0xd3: {  	s11 =	sadd.s32 $0x10, s11  }
0xd4: {  	s10 =	sadd.s32 $0x10, s10;
	v8 =	vor.u32 s11, v2;
	vm3 =	vge.f32 v7, v5  }
.LBB2_24:
.Ltmp22:
0xd5: {  	(pc) =	sbr.rel .LBB2_25-.Ltmp22, $3  }
0xd6: {  	_ =	sdelay $0x1  }
0xd7: {  	v6 =	vsel vm3, v8, v6  }
0xd8: {  	v5 =	vsel vm3, v7, v5;
	v6 =	vxor.u32 $0x80000000, v6  }
.LBB2_26:
0xd9: {  	s1 =	smul.u32 $0x2710, s31  }
0xda: {  	s4 =	smul.u32 $0x13880, s31;
	_ =	sdelay $0x1  }
0xdb: {  	s12 =	simm.s32 $0x0;
	s1 =	sadd.s32 s6, s1;
	s11 =	sshrl.u32 s4, $0x3  }
0xdc: {  	[tilespmem:s12], [sflag:$0x1] =	stream.linear.gather [hbm4b:s1+s12], $0x4E20, $0x38;
	[tilespmem:$0x19790] =	vst v63  }
0xdd: {  	s1 =	sadd.s32 s6, s11  }
0xde: {  	s15 =	sadd.s32 $0x9C4, s1  }
0xdf: {  	[tilespmem:s22], [sflag:$0x2] =	stream.linear.gather [hbm4b:s15+s12], $0x4E20, $0x38;
	[tilespmem:$0x19790] =	vst v63  }
0xe0: {  	_ =	swait.ge [sflag:s18], $0x4E20  }
0xe1: {  	[sflag:s18] =	ssyncset.done $0x0  }
0xe2: {  	[sflag:s18] =	ssyncadd.s32 $0xFFFFB1E0  }
0xe3: {  	v5 =	vld [tilespmem:$0x13950];
	_ =	sdelay $0x4  }
0xe4: {  	vm3 =	vgt.s32 v5, $0x0  }
0xe5: {  	v6 =	vld [tilespmem:$0x13960];
	v5 =	vnsel vm3, $0x0, v5  }
0xe6: {  	v5 =	vmin.u32 v5, $0x4E1F;
	_ =	sdelay $0x3  }
0xe7: {  	v7 =	vld [tilespmem:$0x13970];
	vm3 =	vgt.s32 v6, $0x0  }
0xe8: {  	v6 =	vnsel vm3, $0x0, v6;
	v5 =	vld.idx.msk [tilespmem:v5+s12+$0x0], $0xffff  }
0xe9: {  	v6 =	vmin.u32 v6, $0x4E1F;
	_ =	sdelay $0x3  }
0xea: {  	vm3 =	vgt.s32 v7, $0x0;
	[tilespmem:$0x13A20] =	vst v5  }
0xeb: {  	v5 =	vld.idx.msk [tilespmem:v6+s12+$0x0], $0xffff;
	v6 =	vnsel vm3, $0x0, v7  }
0xec: {  	v7 =	vld [tilespmem:$0x13980];
	v6 =	vmin.u32 v6, $0x4E1F;
	_ =	sdelay $0x3  }
0xed: {  	[tilespmem:$0x13A30] =	vst v5  }
0xee: {  	vm3 =	vgt.s32 v7, $0x0;
	v5 =	vld.idx.msk [tilespmem:v6+s12+$0x0], $0xffff  }
0xef: {  	v6 =	vnsel vm3, $0x0, v7;
	v7 =	vld [tilespmem:$0x13990]  }
0xf0: {  	v6 =	vmin.u32 v6, $0x4E1F;
	_ =	sdelay $0x3  }
0xf1: {  	[tilespmem:$0x13A40] =	vst v5;
	vm3 =	vgt.s32 v7, $0x0  }
0xf2: {  	v5 =	vld.idx.msk [tilespmem:v6+s12+$0x0], $0xffff;
	v6 =	vnsel vm3, $0x0, v7  }
0xf3: {  	v7 =	vld [tilespmem:$0x139A0];
	v6 =	vmin.u32 v6, $0x4E1F;
	_ =	sdelay $0x3  }
0xf4: {  	[tilespmem:$0x13A50] =	vst v5  }
0xf5: {  	vm3 =	vgt.s32 v7, $0x0;
	v5 =	vld.idx.msk [tilespmem:v6+s12+$0x0], $0xffff  }
0xf6: {  	v6 =	vnsel vm3, $0x0, v7;
	v7 =	vld [tilespmem:$0x139B0]  }
0xf7: {  	v6 =	vmin.u32 v6, $0x4E1F;
	_ =	sdelay $0x3  }
0xf8: {  	[tilespmem:$0x13A60] =	vst v5;
	vm3 =	vgt.s32 v7, $0x0  }
0xf9: {  	v5 =	vld.idx.msk [tilespmem:v6+s12+$0x0], $0xffff;
	v6 =	vnsel vm3, $0x0, v7  }
0xfa: {  	v7 =	vld [tilespmem:$0x139C0];
	v6 =	vmin.u32 v6, $0x4E1F;
	_ =	sdelay $0x3  }
0xfb: {  	[tilespmem:$0x13A70] =	vst v5  }
0xfc: {  	vm3 =	vgt.s32 v7, $0x0;
	v5 =	vld.idx.msk [tilespmem:v6+s12+$0x0], $0xffff  }
0xfd: {  	v6 =	vnsel vm3, $0x0, v7;
	v7 =	vld [tilespmem:$0x139D0]  }
0xfe: {  	v6 =	vmin.u32 v6, $0x4E1F;
	_ =	sdelay $0x3  }
0xff: {  	[tilespmem:$0x13A80] =	vst v5;
	vm3 =	vgt.s32 v7, $0x0  }
0x100: {  	v5 =	vld.idx.msk [tilespmem:v6+s12+$0x0], $0xffff;
	v6 =	vnsel vm3, $0x0, v7  }
0x101: {  	v7 =	vld [tilespmem:$0x139E0];
	v6 =	vmin.u32 v6, $0x4E1F;
	_ =	sdelay $0x3  }
0x102: {  	[tilespmem:$0x13A90] =	vst v5  }
0x103: {  	vm3 =	vgt.s32 v7, $0x0;
	v5 =	vld.idx.msk [tilespmem:v6+s12+$0x0], $0xffff  }
0x104: {  	v6 =	vnsel vm3, $0x0, v7;
	v7 =	vld [tilespmem:$0x139F0]  }
0x105: {  	v6 =	vmin.u32 v6, $0x4E1F;
	_ =	sdelay $0x3  }
0x106: {  	[tilespmem:$0x13AA0] =	vst v5;
	vm3 =	vgt.s32 v7, $0x0  }
0x107: {  	v5 =	vld.idx.msk [tilespmem:v6+s12+$0x0], $0xffff;
	v6 =	vnsel vm3, $0x0, v7  }
0x108: {  	v7 =	vld [tilespmem:$0x13A00];
	v6 =	vmin.u32 v6, $0x4E1F;
	_ =	sdelay $0x3  }
0x109: {  	[tilespmem:$0x13AB0] =	vst v5  }
0x10a: {  	vm3 =	vgt.s32 v7, $0x0;
	v5 =	vld.idx.msk [tilespmem:v6+s12+$0x0], $0xffff  }
0x10b: {  	v6 =	vnsel vm3, $0x0, v7;
	v7 =	vld [tilespmem:$0x13A10]  }
0x10c: {  	v6 =	vmin.u32 v6, $0x4E1F;
	_ =	sdelay $0x3  }
0x10d: {  	[tilespmem:$0x13AC0] =	vst v5;
	vm3 =	vgt.s32 v7, $0x0  }
0x10e: {  	v5 =	vld.idx.msk [tilespmem:v6+s12+$0x0], $0xffff;
	v6 =	vnsel vm3, $0x0, v7  }
0x10f: {  	v6 =	vmin.u32 v6, $0x4E1F;
	_ =	sdelay $0x3  }
0x110: {  	[tilespmem:$0x13AD0] =	vst v5  }
0x111: {  	v5 =	vld.idx.msk [tilespmem:v6+s12+$0x0], $0xffff;
	_ =	sdelay $0x4  }
0x112: {  	s7 =	sadd.s32 $0x1388, s1;
	[tilespmem:$0x13AE0] =	vst v5  }
0x113: {  	[tilespmem:s12], [sflag:$0x1] =	stream.linear.gather [hbm4b:s7+s12], $0x4E20, $0x38;
	[tilespmem:$0x19790] =	vst v63  }
0x114: {  	_ =	swait.ge [sflag:s23], $0x4E20  }
0x115: {  	[sflag:s23] =	ssyncset.done $0x0  }
0x116: {  	[sflag:s23] =	ssyncadd.s32 $0xFFFFB1E0  }
0x117: {  	v5 =	vld [tilespmem:$0x13950];
	_ =	sdelay $0x4  }
0x118: {  	vm3 =	vgt.s32 v5, $0x0  }
0x119: {  	v6 =	vld [tilespmem:$0x13960];
	v5 =	vnsel vm3, $0x0, v5  }
0x11a: {  	v5 =	vmin.u32 v5, $0x4E1F;
	_ =	sdelay $0x3  }
0x11b: {  	v7 =	vld [tilespmem:$0x13970];
	vm3 =	vgt.s32 v6, $0x0  }
0x11c: {  	v6 =	vnsel vm3, $0x0, v6;
	v5 =	vld.idx.msk [tilespmem:v5+s22+$0x0], $0xffff  }
0x11d: {  	v6 =	vmin.u32 v6, $0x4E1F;
	_ =	sdelay $0x3  }
0x11e: {  	vm3 =	vgt.s32 v7, $0x0;
	[tilespmem:$0x13AF0] =	vst v5  }
0x11f: {  	v5 =	vld.idx.msk [tilespmem:v6+s22+$0x0], $0xffff;
	v6 =	vnsel vm3, $0x0, v7  }
0x120: {  	v7 =	vld [tilespmem:$0x13980];
	v6 =	vmin.u32 v6, $0x4E1F;
	_ =	sdelay $0x3  }
0x121: {  	[tilespmem:$0x13B00] =	vst v5  }
0x122: {  	vm3 =	vgt.s32 v7, $0x0;
	v5 =	vld.idx.msk [tilespmem:v6+s22+$0x0], $0xffff  }
0x123: {  	v6 =	vnsel vm3, $0x0, v7;
	v7 =	vld [tilespmem:$0x13990]  }
0x124: {  	v6 =	vmin.u32 v6, $0x4E1F;
	_ =	sdelay $0x3  }
0x125: {  	[tilespmem:$0x13B10] =	vst v5;
	vm3 =	vgt.s32 v7, $0x0  }
0x126: {  	v5 =	vld.idx.msk [tilespmem:v6+s22+$0x0], $0xffff;
	v6 =	vnsel vm3, $0x0, v7  }
0x127: {  	v7 =	vld [tilespmem:$0x139A0];
	v6 =	vmin.u32 v6, $0x4E1F;
	_ =	sdelay $0x3  }
0x128: {  	[tilespmem:$0x13B20] =	vst v5  }
0x129: {  	vm3 =	vgt.s32 v7, $0x0;
	v5 =	vld.idx.msk [tilespmem:v6+s22+$0x0], $0xffff  }
0x12a: {  	v6 =	vnsel vm3, $0x0, v7;
	v7 =	vld [tilespmem:$0x139B0]  }
0x12b: {  	v6 =	vmin.u32 v6, $0x4E1F;
	_ =	sdelay $0x3  }
0x12c: {  	[tilespmem:$0x13B30] =	vst v5;
	vm3 =	vgt.s32 v7, $0x0  }
0x12d: {  	v5 =	vld.idx.msk [tilespmem:v6+s22+$0x0], $0xffff;
	v6 =	vnsel vm3, $0x0, v7  }
0x12e: {  	v7 =	vld [tilespmem:$0x139C0];
	v6 =	vmin.u32 v6, $0x4E1F;
	_ =	sdelay $0x3  }
0x12f: {  	[tilespmem:$0x13B40] =	vst v5  }
0x130: {  	vm3 =	vgt.s32 v7, $0x0;
	v5 =	vld.idx.msk [tilespmem:v6+s22+$0x0], $0xffff  }
0x131: {  	v6 =	vnsel vm3, $0x0, v7;
	v7 =	vld [tilespmem:$0x139D0]  }
0x132: {  	v6 =	vmin.u32 v6, $0x4E1F;
	_ =	sdelay $0x3  }
0x133: {  	[tilespmem:$0x13B50] =	vst v5;
	vm3 =	vgt.s32 v7, $0x0  }
0x134: {  	v5 =	vld.idx.msk [tilespmem:v6+s22+$0x0], $0xffff;
	v6 =	vnsel vm3, $0x0, v7  }
0x135: {  	v7 =	vld [tilespmem:$0x139E0];
	v6 =	vmin.u32 v6, $0x4E1F;
	_ =	sdelay $0x3  }
0x136: {  	[tilespmem:$0x13B60] =	vst v5  }
0x137: {  	vm3 =	vgt.s32 v7, $0x0;
	v5 =	vld.idx.msk [tilespmem:v6+s22+$0x0], $0xffff  }
0x138: {  	v6 =	vnsel vm3, $0x0, v7;
	v7 =	vld [tilespmem:$0x139F0]  }
0x139: {  	v6 =	vmin.u32 v6, $0x4E1F;
	_ =	sdelay $0x3  }
0x13a: {  	[tilespmem:$0x13B70] =	vst v5;
	vm3 =	vgt.s32 v7, $0x0  }
0x13b: {  	v5 =	vld.idx.msk [tilespmem:v6+s22+$0x0], $0xffff;
	v6 =	vnsel vm3, $0x0, v7  }
0x13c: {  	v7 =	vld [tilespmem:$0x13A00];
	v6 =	vmin.u32 v6, $0x4E1F;
	_ =	sdelay $0x3  }
0x13d: {  	[tilespmem:$0x13B80] =	vst v5  }
0x13e: {  	vm3 =	vgt.s32 v7, $0x0;
	v5 =	vld.idx.msk [tilespmem:v6+s22+$0x0], $0xffff  }
0x13f: {  	v6 =	vnsel vm3, $0x0, v7;
	v7 =	vld [tilespmem:$0x13A10]  }
0x140: {  	v6 =	vmin.u32 v6, $0x4E1F;
	_ =	sdelay $0x3  }
0x141: {  	[tilespmem:$0x13B90] =	vst v5;
	vm3 =	vgt.s32 v7, $0x0  }
0x142: {  	v5 =	vld.idx.msk [tilespmem:v6+s22+$0x0], $0xffff;
	v6 =	vnsel vm3, $0x0, v7  }
0x143: {  	v6 =	vmin.u32 v6, $0x4E1F;
	_ =	sdelay $0x3  }
0x144: {  	[tilespmem:$0x13BA0] =	vst v5  }
0x145: {  	v5 =	vld.idx.msk [tilespmem:v6+s22+$0x0], $0xffff;
	_ =	sdelay $0x4  }
0x146: {  	s1 =	sadd.s32 $0x1D4C, s1;
	[tilespmem:$0x13BB0] =	vst v5  }
0x147: {  	[tilespmem:s22], [sflag:$0x2] =	stream.linear.gather [hbm4b:s1+s12], $0x4E20, $0x38;
	[tilespmem:$0x19790] =	vst v63  }
0x148: {  	_ =	swait.ge [sflag:s18], $0x4E20  }
0x149: {  	[sflag:s18] =	ssyncset.done $0x0  }
0x14a: {  	[sflag:s18] =	ssyncadd.s32 $0xFFFFB1E0  }
0x14b: {  	v5 =	vld [tilespmem:$0x13950];
	_ =	sdelay $0x4  }
0x14c: {  	vm3 =	vgt.s32 v5, $0x0  }
0x14d: {  	v6 =	vld [tilespmem:$0x13960];
	v5 =	vnsel vm3, $0x0, v5  }
0x14e: {  	v5 =	vmin.u32 v5, $0x4E1F;
	_ =	sdelay $0x3  }
0x14f: {  	v7 =	vld [tilespmem:$0x13970];
	vm3 =	vgt.s32 v6, $0x0  }
0x150: {  	v6 =	vnsel vm3, $0x0, v6;
	v5 =	vld.idx.msk [tilespmem:v5+s12+$0x0], $0xffff  }
0x151: {  	v6 =	vmin.u32 v6, $0x4E1F;
	_ =	sdelay $0x3  }
0x152: {  	vm3 =	vgt.s32 v7, $0x0;
	[tilespmem:$0x13BC0] =	vst v5  }
0x153: {  	v5 =	vld.idx.msk [tilespmem:v6+s12+$0x0], $0xffff;
	v6 =	vnsel vm3, $0x0, v7  }
0x154: {  	v7 =	vld [tilespmem:$0x13980];
	v6 =	vmin.u32 v6, $0x4E1F;
	_ =	sdelay $0x3  }
0x155: {  	[tilespmem:$0x13BD0] =	vst v5  }
0x156: {  	vm3 =	vgt.s32 v7, $0x0;
	v5 =	vld.idx.msk [tilespmem:v6+s12+$0x0], $0xffff  }
0x157: {  	v6 =	vnsel vm3, $0x0, v7;
	v7 =	vld [tilespmem:$0x13990]  }
0x158: {  	v6 =	vmin.u32 v6, $0x4E1F;
	_ =	sdelay $0x3  }
0x159: {  	[tilespmem:$0x13BE0] =	vst v5;
	vm3 =	vgt.s32 v7, $0x0  }
0x15a: {  	v5 =	vld.idx.msk [tilespmem:v6+s12+$0x0], $0xffff;
	v6 =	vnsel vm3, $0x0, v7  }
0x15b: {  	v7 =	vld [tilespmem:$0x139A0];
	v6 =	vmin.u32 v6, $0x4E1F;
	_ =	sdelay $0x3  }
0x15c: {  	[tilespmem:$0x13BF0] =	vst v5  }
0x15d: {  	vm3 =	vgt.s32 v7, $0x0;
	v5 =	vld.idx.msk [tilespmem:v6+s12+$0x0], $0xffff  }
0x15e: {  	v6 =	vnsel vm3, $0x0, v7;
	v7 =	vld [tilespmem:$0x139B0]  }
0x15f: {  	v6 =	vmin.u32 v6, $0x4E1F;
	_ =	sdelay $0x3  }
0x160: {  	[tilespmem:$0x13C00] =	vst v5;
	vm3 =	vgt.s32 v7, $0x0  }
0x161: {  	v5 =	vld.idx.msk [tilespmem:v6+s12+$0x0], $0xffff;
	v6 =	vnsel vm3, $0x0, v7  }
0x162: {  	v7 =	vld [tilespmem:$0x139C0];
	v6 =	vmin.u32 v6, $0x4E1F;
	_ =	sdelay $0x3  }
0x163: {  	[tilespmem:$0x13C10] =	vst v5  }
0x164: {  	vm3 =	vgt.s32 v7, $0x0;
	v5 =	vld.idx.msk [tilespmem:v6+s12+$0x0], $0xffff  }
0x165: {  	v6 =	vnsel vm3, $0x0, v7;
	v7 =	vld [tilespmem:$0x139D0]  }
0x166: {  	v6 =	vmin.u32 v6, $0x4E1F;
	_ =	sdelay $0x3  }
0x167: {  	[tilespmem:$0x13C20] =	vst v5;
	vm3 =	vgt.s32 v7, $0x0  }
0x168: {  	v5 =	vld.idx.msk [tilespmem:v6+s12+$0x0], $0xffff;
	v6 =	vnsel vm3, $0x0, v7  }
0x169: {  	v7 =	vld [tilespmem:$0x139E0];
	v6 =	vmin.u32 v6, $0x4E1F;
	_ =	sdelay $0x3  }
0x16a: {  	[tilespmem:$0x13C30] =	vst v5  }
0x16b: {  	vm3 =	vgt.s32 v7, $0x0;
	v5 =	vld.idx.msk [tilespmem:v6+s12+$0x0], $0xffff  }
0x16c: {  	v6 =	vnsel vm3, $0x0, v7;
	v7 =	vld [tilespmem:$0x139F0]  }
0x16d: {  	v6 =	vmin.u32 v6, $0x4E1F;
	_ =	sdelay $0x3  }
0x16e: {  	[tilespmem:$0x13C40] =	vst v5;
	vm3 =	vgt.s32 v7, $0x0  }
0x16f: {  	v5 =	vld.idx.msk [tilespmem:v6+s12+$0x0], $0xffff;
	v6 =	vnsel vm3, $0x0, v7  }
0x170: {  	v7 =	vld [tilespmem:$0x13A00];
	v6 =	vmin.u32 v6, $0x4E1F;
	_ =	sdelay $0x3  }
0x171: {  	[tilespmem:$0x13C50] =	vst v5  }
0x172: {  	vm3 =	vgt.s32 v7, $0x0;
	v5 =	vld.idx.msk [tilespmem:v6+s12+$0x0], $0xffff  }
0x173: {  	v6 =	vnsel vm3, $0x0, v7;
	v7 =	vld [tilespmem:$0x13A10]  }
0x174: {  	v6 =	vmin.u32 v6, $0x4E1F;
	_ =	sdelay $0x3  }
0x175: {  	[tilespmem:$0x13C60] =	vst v5;
	vm3 =	vgt.s32 v7, $0x0  }
0x176: {  	v5 =	vld.idx.msk [tilespmem:v6+s12+$0x0], $0xffff;
	v6 =	vnsel vm3, $0x0, v7  }
0x177: {  	v6 =	vmin.u32 v6, $0x4E1F;
	_ =	sdelay $0x3  }
0x178: {  	[tilespmem:$0x13C70] =	vst v5  }
0x179: {  	v5 =	vld.idx.msk [tilespmem:v6+s12+$0x0], $0xffff;
	_ =	sdelay $0x4  }
0x17a: {  	s9 =	rddreg [dreg:$0x4];
	[tilespmem:$0x13C80] =	vst v5  }
0x17b: {  	[tilespmem:s12], [sflag:$0x1] =	stream.linear.gather [hbm4b:s9+s12], $0x4E20, $0x38;
	[tilespmem:$0x19790] =	vst v63  }
0x17c: {  	_ =	swait.ge [sflag:s23], $0x4E20  }
0x17d: {  	[sflag:s23] =	ssyncset.done $0x0  }
0x17e: {  	[sflag:s23] =	ssyncadd.s32 $0xFFFFB1E0  }
0x17f: {  	v5 =	vld [tilespmem:$0x13950];
	_ =	sdelay $0x4  }
0x180: {  	vm3 =	vgt.s32 v5, $0x0  }
0x181: {  	v6 =	vld [tilespmem:$0x13960];
	v5 =	vnsel vm3, $0x0, v5  }
0x182: {  	v5 =	vmin.u32 v5, $0x4E1F;
	_ =	sdelay $0x3  }
0x183: {  	v7 =	vld [tilespmem:$0x13970];
	vm3 =	vgt.s32 v6, $0x0  }
0x184: {  	v6 =	vnsel vm3, $0x0, v6;
	v5 =	vld.idx.msk [tilespmem:v5+s22+$0x0], $0xffff  }
0x185: {  	v6 =	vmin.u32 v6, $0x4E1F;
	_ =	sdelay $0x3  }
0x186: {  	vm3 =	vgt.s32 v7, $0x0;
	[tilespmem:$0x13C90] =	vst v5  }
0x187: {  	v5 =	vld.idx.msk [tilespmem:v6+s22+$0x0], $0xffff;
	v6 =	vnsel vm3, $0x0, v7  }
0x188: {  	v7 =	vld [tilespmem:$0x13980];
	v6 =	vmin.u32 v6, $0x4E1F;
	_ =	sdelay $0x3  }
0x189: {  	[tilespmem:$0x13CA0] =	vst v5  }
0x18a: {  	vm3 =	vgt.s32 v7, $0x0;
	v5 =	vld.idx.msk [tilespmem:v6+s22+$0x0], $0xffff  }
0x18b: {  	v6 =	vnsel vm3, $0x0, v7;
	v7 =	vld [tilespmem:$0x13990]  }
0x18c: {  	v6 =	vmin.u32 v6, $0x4E1F;
	_ =	sdelay $0x3  }
0x18d: {  	[tilespmem:$0x13CB0] =	vst v5;
	vm3 =	vgt.s32 v7, $0x0  }
0x18e: {  	v5 =	vld.idx.msk [tilespmem:v6+s22+$0x0], $0xffff;
	v6 =	vnsel vm3, $0x0, v7  }
0x18f: {  	v7 =	vld [tilespmem:$0x139A0];
	v6 =	vmin.u32 v6, $0x4E1F;
	_ =	sdelay $0x3  }
0x190: {  	[tilespmem:$0x13CC0] =	vst v5  }
0x191: {  	vm3 =	vgt.s32 v7, $0x0;
	v5 =	vld.idx.msk [tilespmem:v6+s22+$0x0], $0xffff  }
0x192: {  	v6 =	vnsel vm3, $0x0, v7;
	v7 =	vld [tilespmem:$0x139B0]  }
0x193: {  	v6 =	vmin.u32 v6, $0x4E1F;
	_ =	sdelay $0x3  }
0x194: {  	[tilespmem:$0x13CD0] =	vst v5;
	vm3 =	vgt.s32 v7, $0x0  }
0x195: {  	v5 =	vld.idx.msk [tilespmem:v6+s22+$0x0], $0xffff;
	v6 =	vnsel vm3, $0x0, v7  }
0x196: {  	v7 =	vld [tilespmem:$0x139C0];
	v6 =	vmin.u32 v6, $0x4E1F;
	_ =	sdelay $0x3  }
0x197: {  	[tilespmem:$0x13CE0] =	vst v5  }
0x198: {  	vm3 =	vgt.s32 v7, $0x0;
	v5 =	vld.idx.msk [tilespmem:v6+s22+$0x0], $0xffff  }
0x199: {  	v6 =	vnsel vm3, $0x0, v7;
	v7 =	vld [tilespmem:$0x139D0]  }
0x19a: {  	v6 =	vmin.u32 v6, $0x4E1F;
	_ =	sdelay $0x3  }
0x19b: {  	[tilespmem:$0x13CF0] =	vst v5;
	vm3 =	vgt.s32 v7, $0x0  }
0x19c: {  	v5 =	vld.idx.msk [tilespmem:v6+s22+$0x0], $0xffff;
	v6 =	vnsel vm3, $0x0, v7  }
0x19d: {  	v7 =	vld [tilespmem:$0x139E0];
	v6 =	vmin.u32 v6, $0x4E1F;
	_ =	sdelay $0x3  }
0x19e: {  	[tilespmem:$0x13D00] =	vst v5  }
0x19f: {  	vm3 =	vgt.s32 v7, $0x0;
	v5 =	vld.idx.msk [tilespmem:v6+s22+$0x0], $0xffff  }
0x1a0: {  	v6 =	vnsel vm3, $0x0, v7;
	v7 =	vld [tilespmem:$0x139F0]  }
0x1a1: {  	v6 =	vmin.u32 v6, $0x4E1F;
	_ =	sdelay $0x3  }
0x1a2: {  	[tilespmem:$0x13D10] =	vst v5;
	vm3 =	vgt.s32 v7, $0x0  }
0x1a3: {  	v5 =	vld.idx.msk [tilespmem:v6+s22+$0x0], $0xffff;
	v6 =	vnsel vm3, $0x0, v7  }
0x1a4: {  	v7 =	vld [tilespmem:$0x13A00];
	v6 =	vmin.u32 v6, $0x4E1F;
	_ =	sdelay $0x3  }
0x1a5: {  	[tilespmem:$0x13D20] =	vst v5  }
0x1a6: {  	vm3 =	vgt.s32 v7, $0x0;
	v5 =	vld.idx.msk [tilespmem:v6+s22+$0x0], $0xffff  }
0x1a7: {  	v6 =	vnsel vm3, $0x0, v7;
	v7 =	vld [tilespmem:$0x13A10]  }
0x1a8: {  	v6 =	vmin.u32 v6, $0x4E1F;
	_ =	sdelay $0x3  }
0x1a9: {  	[tilespmem:$0x13D30] =	vst v5;
	vm3 =	vgt.s32 v7, $0x0  }
0x1aa: {  	v5 =	vld.idx.msk [tilespmem:v6+s22+$0x0], $0xffff;
	v6 =	vnsel vm3, $0x0, v7  }
0x1ab: {  	v6 =	vmin.u32 v6, $0x4E1F;
	_ =	sdelay $0x3  }
0x1ac: {  	[tilespmem:$0x13D40] =	vst v5  }
0x1ad: {  	v5 =	vld.idx.msk [tilespmem:v6+s22+$0x0], $0xffff;
	_ =	sdelay $0x4  }
0x1ae: {  	s10 =	rddreg [dreg:$0x5];
	[tilespmem:$0x13D50] =	vst v5  }
0x1af: {  	[tilespmem:s22], [sflag:$0x2] =	stream.linear.gather [hbm4b:s10+s12], $0x4E20, $0x38;
	[tilespmem:$0x19790] =	vst v63  }
0x1b0: {  	_ =	swait.ge [sflag:s18], $0x4E20  }
0x1b1: {  	[sflag:s18] =	ssyncset.done $0x0  }
0x1b2: {  	[sflag:s18] =	ssyncadd.s32 $0xFFFFB1E0  }
0x1b3: {  	v5 =	vld [tilespmem:$0x13950];
	_ =	sdelay $0x4  }
0x1b4: {  	vm3 =	vgt.s32 v5, $0x0  }
0x1b5: {  	v6 =	vld [tilespmem:$0x13960];
	v5 =	vnsel vm3, $0x0, v5  }
0x1b6: {  	v5 =	vmin.u32 v5, $0x4E1F;
	_ =	sdelay $0x3  }
0x1b7: {  	v7 =	vld [tilespmem:$0x13970];
	vm3 =	vgt.s32 v6, $0x0  }
0x1b8: {  	v6 =	vnsel vm3, $0x0, v6;
	v5 =	vld.idx.msk [tilespmem:v5+s12+$0x0], $0xffff  }
0x1b9: {  	v6 =	vmin.u32 v6, $0x4E1F;
	_ =	sdelay $0x3  }
0x1ba: {  	vm3 =	vgt.s32 v7, $0x0;
	[tilespmem:$0x13D60] =	vst v5  }
0x1bb: {  	v5 =	vld.idx.msk [tilespmem:v6+s12+$0x0], $0xffff;
	v6 =	vnsel vm3, $0x0, v7  }
0x1bc: {  	v7 =	vld [tilespmem:$0x13980];
	v6 =	vmin.u32 v6, $0x4E1F;
	_ =	sdelay $0x3  }
0x1bd: {  	[tilespmem:$0x13D70] =	vst v5  }
0x1be: {  	vm3 =	vgt.s32 v7, $0x0;
	v5 =	vld.idx.msk [tilespmem:v6+s12+$0x0], $0xffff  }
0x1bf: {  	v6 =	vnsel vm3, $0x0, v7;
	v7 =	vld [tilespmem:$0x13990]  }
0x1c0: {  	v6 =	vmin.u32 v6, $0x4E1F;
	_ =	sdelay $0x3  }
0x1c1: {  	[tilespmem:$0x13D80] =	vst v5;
	vm3 =	vgt.s32 v7, $0x0  }
0x1c2: {  	v5 =	vld.idx.msk [tilespmem:v6+s12+$0x0], $0xffff;
	v6 =	vnsel vm3, $0x0, v7  }
0x1c3: {  	v7 =	vld [tilespmem:$0x139A0];
	v6 =	vmin.u32 v6, $0x4E1F;
	_ =	sdelay $0x3  }
0x1c4: {  	[tilespmem:$0x13D90] =	vst v5  }
0x1c5: {  	vm3 =	vgt.s32 v7, $0x0;
	v5 =	vld.idx.msk [tilespmem:v6+s12+$0x0], $0xffff  }
0x1c6: {  	v6 =	vnsel vm3, $0x0, v7;
	v7 =	vld [tilespmem:$0x139B0]  }
0x1c7: {  	v6 =	vmin.u32 v6, $0x4E1F;
	_ =	sdelay $0x3  }
0x1c8: {  	[tilespmem:$0x13DA0] =	vst v5;
	vm3 =	vgt.s32 v7, $0x0  }
0x1c9: {  	v5 =	vld.idx.msk [tilespmem:v6+s12+$0x0], $0xffff;
	v6 =	vnsel vm3, $0x0, v7  }
0x1ca: {  	v7 =	vld [tilespmem:$0x139C0];
	v6 =	vmin.u32 v6, $0x4E1F;
	_ =	sdelay $0x3  }
0x1cb: {  	[tilespmem:$0x13DB0] =	vst v5  }
0x1cc: {  	vm3 =	vgt.s32 v7, $0x0;
	v5 =	vld.idx.msk [tilespmem:v6+s12+$0x0], $0xffff  }
0x1cd: {  	v6 =	vnsel vm3, $0x0, v7;
	v7 =	vld [tilespmem:$0x139D0]  }
0x1ce: {  	v6 =	vmin.u32 v6, $0x4E1F;
	_ =	sdelay $0x3  }
0x1cf: {  	[tilespmem:$0x13DC0] =	vst v5;
	vm3 =	vgt.s32 v7, $0x0  }
0x1d0: {  	v5 =	vld.idx.msk [tilespmem:v6+s12+$0x0], $0xffff;
	v6 =	vnsel vm3, $0x0, v7  }
0x1d1: {  	v7 =	vld [tilespmem:$0x139E0];
	v6 =	vmin.u32 v6, $0x4E1F;
	_ =	sdelay $0x3  }
0x1d2: {  	[tilespmem:$0x13DD0] =	vst v5  }
0x1d3: {  	vm3 =	vgt.s32 v7, $0x0;
	v5 =	vld.idx.msk [tilespmem:v6+s12+$0x0], $0xffff  }
0x1d4: {  	v6 =	vnsel vm3, $0x0, v7;
	v7 =	vld [tilespmem:$0x139F0]  }
0x1d5: {  	v6 =	vmin.u32 v6, $0x4E1F;
	_ =	sdelay $0x3  }
0x1d6: {  	[tilespmem:$0x13DE0] =	vst v5;
	vm3 =	vgt.s32 v7, $0x0  }
0x1d7: {  	v5 =	vld.idx.msk [tilespmem:v6+s12+$0x0], $0xffff;
	v6 =	vnsel vm3, $0x0, v7  }
0x1d8: {  	v7 =	vld [tilespmem:$0x13A00];
	v6 =	vmin.u32 v6, $0x4E1F;
	_ =	sdelay $0x3  }
0x1d9: {  	[tilespmem:$0x13DF0] =	vst v5  }
0x1da: {  	vm3 =	vgt.s32 v7, $0x0;
	v5 =	vld.idx.msk [tilespmem:v6+s12+$0x0], $0xffff  }
0x1db: {  	v6 =	vnsel vm3, $0x0, v7;
	v7 =	vld [tilespmem:$0x13A10]  }
0x1dc: {  	v6 =	vmin.u32 v6, $0x4E1F;
	_ =	sdelay $0x3  }
0x1dd: {  	[tilespmem:$0x13E00] =	vst v5;
	vm3 =	vgt.s32 v7, $0x0  }
0x1de: {  	v5 =	vld.idx.msk [tilespmem:v6+s12+$0x0], $0xffff;
	v6 =	vnsel vm3, $0x0, v7  }
0x1df: {  	v6 =	vmin.u32 v6, $0x4E1F;
	_ =	sdelay $0x3  }
0x1e0: {  	[tilespmem:$0x13E10] =	vst v5  }
0x1e1: {  	v5 =	vld.idx.msk [tilespmem:v6+s12+$0x0], $0xffff;
	_ =	sdelay $0x4  }
0x1e2: {  	s11 =	rddreg [dreg:$0x6];
	[tilespmem:$0x13E20] =	vst v5  }
0x1e3: {  	[tilespmem:s12], [sflag:$0x1] =	stream.linear.gather [hbm4b:s11+s12], $0x4E20, $0x38;
	[tilespmem:$0x19790] =	vst v63  }
0x1e4: {  	_ =	swait.ge [sflag:s23], $0x4E20  }
0x1e5: {  	[sflag:s23] =	ssyncset.done $0x0  }
0x1e6: {  	[sflag:s23] =	ssyncadd.s32 $0xFFFFB1E0  }
0x1e7: {  	v5 =	vld [tilespmem:$0x13950];
	_ =	sdelay $0x4  }
0x1e8: {  	vm3 =	vgt.s32 v5, $0x0  }
0x1e9: {  	v6 =	vld [tilespmem:$0x13960];
	v5 =	vnsel vm3, $0x0, v5  }
0x1ea: {  	v5 =	vmin.u32 v5, $0x4E1F;
	_ =	sdelay $0x3  }
0x1eb: {  	v7 =	vld [tilespmem:$0x13970];
	vm3 =	vgt.s32 v6, $0x0  }
0x1ec: {  	v6 =	vnsel vm3, $0x0, v6;
	v5 =	vld.idx.msk [tilespmem:v5+s22+$0x0], $0xffff  }
0x1ed: {  	v6 =	vmin.u32 v6, $0x4E1F;
	_ =	sdelay $0x3  }
0x1ee: {  	vm3 =	vgt.s32 v7, $0x0;
	[tilespmem:$0x13E30] =	vst v5  }
0x1ef: {  	v5 =	vld.idx.msk [tilespmem:v6+s22+$0x0], $0xffff;
	v6 =	vnsel vm3, $0x0, v7  }
0x1f0: {  	v7 =	vld [tilespmem:$0x13980];
	v6 =	vmin.u32 v6, $0x4E1F;
	_ =	sdelay $0x3  }
0x1f1: {  	[tilespmem:$0x13E40] =	vst v5  }
0x1f2: {  	vm3 =	vgt.s32 v7, $0x0;
	v5 =	vld.idx.msk [tilespmem:v6+s22+$0x0], $0xffff  }
0x1f3: {  	v6 =	vnsel vm3, $0x0, v7;
	v7 =	vld [tilespmem:$0x13990]  }
0x1f4: {  	v6 =	vmin.u32 v6, $0x4E1F;
	_ =	sdelay $0x3  }
0x1f5: {  	[tilespmem:$0x13E50] =	vst v5;
	vm3 =	vgt.s32 v7, $0x0  }
0x1f6: {  	v5 =	vld.idx.msk [tilespmem:v6+s22+$0x0], $0xffff;
	v6 =	vnsel vm3, $0x0, v7  }
0x1f7: {  	v7 =	vld [tilespmem:$0x139A0];
	v6 =	vmin.u32 v6, $0x4E1F;
	_ =	sdelay $0x3  }
0x1f8: {  	[tilespmem:$0x13E60] =	vst v5  }
0x1f9: {  	vm3 =	vgt.s32 v7, $0x0;
	v5 =	vld.idx.msk [tilespmem:v6+s22+$0x0], $0xffff  }
0x1fa: {  	v6 =	vnsel vm3, $0x0, v7;
	v7 =	vld [tilespmem:$0x139B0]  }
0x1fb: {  	v6 =	vmin.u32 v6, $0x4E1F;
	_ =	sdelay $0x3  }
0x1fc: {  	[tilespmem:$0x13E70] =	vst v5;
	vm3 =	vgt.s32 v7, $0x0  }
0x1fd: {  	v5 =	vld.idx.msk [tilespmem:v6+s22+$0x0], $0xffff;
	v6 =	vnsel vm3, $0x0, v7  }
0x1fe: {  	v7 =	vld [tilespmem:$0x139C0];
	v6 =	vmin.u32 v6, $0x4E1F;
	_ =	sdelay $0x3  }
0x1ff: {  	[tilespmem:$0x13E80] =	vst v5  }
0x200: {  	vm3 =	vgt.s32 v7, $0x0;
	v5 =	vld.idx.msk [tilespmem:v6+s22+$0x0], $0xffff  }
0x201: {  	v6 =	vnsel vm3, $0x0, v7;
	v7 =	vld [tilespmem:$0x139D0]  }
0x202: {  	v6 =	vmin.u32 v6, $0x4E1F;
	_ =	sdelay $0x3  }
0x203: {  	[tilespmem:$0x13E90] =	vst v5;
	vm3 =	vgt.s32 v7, $0x0  }
0x204: {  	v5 =	vld.idx.msk [tilespmem:v6+s22+$0x0], $0xffff;
	v6 =	vnsel vm3, $0x0, v7  }
0x205: {  	v7 =	vld [tilespmem:$0x139E0];
	v6 =	vmin.u32 v6, $0x4E1F;
	_ =	sdelay $0x3  }
0x206: {  	[tilespmem:$0x13EA0] =	vst v5  }
0x207: {  	vm3 =	vgt.s32 v7, $0x0;
	v5 =	vld.idx.msk [tilespmem:v6+s22+$0x0], $0xffff  }
0x208: {  	v6 =	vnsel vm3, $0x0, v7;
	v7 =	vld [tilespmem:$0x139F0]  }
0x209: {  	v6 =	vmin.u32 v6, $0x4E1F;
	_ =	sdelay $0x3  }
0x20a: {  	[tilespmem:$0x13EB0] =	vst v5;
	vm3 =	vgt.s32 v7, $0x0  }
0x20b: {  	v5 =	vld.idx.msk [tilespmem:v6+s22+$0x0], $0xffff;
	v6 =	vnsel vm3, $0x0, v7  }
0x20c: {  	v7 =	vld [tilespmem:$0x13A00];
	v6 =	vmin.u32 v6, $0x4E1F;
	_ =	sdelay $0x3  }
0x20d: {  	[tilespmem:$0x13EC0] =	vst v5  }
0x20e: {  	vm3 =	vgt.s32 v7, $0x0;
	v5 =	vld.idx.msk [tilespmem:v6+s22+$0x0], $0xffff  }
0x20f: {  	v6 =	vnsel vm3, $0x0, v7;
	v7 =	vld [tilespmem:$0x13A10]  }
0x210: {  	v6 =	vmin.u32 v6, $0x4E1F;
	_ =	sdelay $0x3  }
0x211: {  	[tilespmem:$0x13ED0] =	vst v5;
	vm3 =	vgt.s32 v7, $0x0  }
0x212: {  	v5 =	vld.idx.msk [tilespmem:v6+s22+$0x0], $0xffff;
	v6 =	vnsel vm3, $0x0, v7  }
0x213: {  	v6 =	vmin.u32 v6, $0x4E1F;
	_ =	sdelay $0x3  }
0x214: {  	[tilespmem:$0x13EE0] =	vst v5  }
0x215: {  	v5 =	vld.idx.msk [tilespmem:v6+s22+$0x0], $0xffff;
	_ =	sdelay $0x4  }
0x216: {  	s15 =	rddreg [dreg:$0x7];
	[tilespmem:$0x13EF0] =	vst v5  }
0x217: {  	[tilespmem:s22], [sflag:$0x2] =	stream.linear.gather [hbm4b:s15+s12], $0x4E20, $0x38;
	[tilespmem:$0x19790] =	vst v63  }
0x218: {  	_ =	swait.ge [sflag:s18], $0x4E20  }
0x219: {  	[sflag:s18] =	ssyncset.done $0x0  }
0x21a: {  	[sflag:s18] =	ssyncadd.s32 $0xFFFFB1E0  }
0x21b: {  	v5 =	vld [tilespmem:$0x13950];
	_ =	sdelay $0x4  }
0x21c: {  	vm3 =	vgt.s32 v5, $0x0  }
0x21d: {  	v6 =	vld [tilespmem:$0x13960];
	v5 =	vnsel vm3, $0x0, v5  }
0x21e: {  	v5 =	vmin.u32 v5, $0x4E1F;
	_ =	sdelay $0x3  }
0x21f: {  	v7 =	vld [tilespmem:$0x13970];
	vm3 =	vgt.s32 v6, $0x0  }
0x220: {  	v6 =	vnsel vm3, $0x0, v6;
	v5 =	vld.idx.msk [tilespmem:v5+s12+$0x0], $0xffff  }
0x221: {  	v6 =	vmin.u32 v6, $0x4E1F;
	_ =	sdelay $0x3  }
0x222: {  	vm3 =	vgt.s32 v7, $0x0;
	[tilespmem:$0x13F00] =	vst v5  }
0x223: {  	v5 =	vld.idx.msk [tilespmem:v6+s12+$0x0], $0xffff;
	v6 =	vnsel vm3, $0x0, v7  }
0x224: {  	v7 =	vld [tilespmem:$0x13980];
	v6 =	vmin.u32 v6, $0x4E1F;
	_ =	sdelay $0x3  }
0x225: {  	[tilespmem:$0x13F10] =	vst v5  }
0x226: {  	vm3 =	vgt.s32 v7, $0x0;
	v5 =	vld.idx.msk [tilespmem:v6+s12+$0x0], $0xffff  }
0x227: {  	v6 =	vnsel vm3, $0x0, v7;
	v7 =	vld [tilespmem:$0x13990]  }
0x228: {  	v6 =	vmin.u32 v6, $0x4E1F;
	_ =	sdelay $0x3  }
0x229: {  	[tilespmem:$0x13F20] =	vst v5;
	vm3 =	vgt.s32 v7, $0x0  }
0x22a: {  	v5 =	vld.idx.msk [tilespmem:v6+s12+$0x0], $0xffff;
	v6 =	vnsel vm3, $0x0, v7  }
0x22b: {  	v7 =	vld [tilespmem:$0x139A0];
	v6 =	vmin.u32 v6, $0x4E1F;
	_ =	sdelay $0x3  }
0x22c: {  	[tilespmem:$0x13F30] =	vst v5  }
0x22d: {  	vm3 =	vgt.s32 v7, $0x0;
	v5 =	vld.idx.msk [tilespmem:v6+s12+$0x0], $0xffff  }
0x22e: {  	v6 =	vnsel vm3, $0x0, v7;
	v7 =	vld [tilespmem:$0x139B0]  }
0x22f: {  	v6 =	vmin.u32 v6, $0x4E1F;
	_ =	sdelay $0x3  }
0x230: {  	[tilespmem:$0x13F40] =	vst v5;
	vm3 =	vgt.s32 v7, $0x0  }
0x231: {  	v5 =	vld.idx.msk [tilespmem:v6+s12+$0x0], $0xffff;
	v6 =	vnsel vm3, $0x0, v7  }
0x232: {  	v7 =	vld [tilespmem:$0x139C0];
	v6 =	vmin.u32 v6, $0x4E1F;
	_ =	sdelay $0x3  }
0x233: {  	[tilespmem:$0x13F50] =	vst v5  }
0x234: {  	vm3 =	vgt.s32 v7, $0x0;
	v5 =	vld.idx.msk [tilespmem:v6+s12+$0x0], $0xffff  }
0x235: {  	v6 =	vnsel vm3, $0x0, v7;
	v7 =	vld [tilespmem:$0x139D0]  }
0x236: {  	v6 =	vmin.u32 v6, $0x4E1F;
	_ =	sdelay $0x3  }
0x237: {  	[tilespmem:$0x13F60] =	vst v5;
	vm3 =	vgt.s32 v7, $0x0  }
0x238: {  	v5 =	vld.idx.msk [tilespmem:v6+s12+$0x0], $0xffff;
	v6 =	vnsel vm3, $0x0, v7  }
0x239: {  	v7 =	vld [tilespmem:$0x139E0];
	v6 =	vmin.u32 v6, $0x4E1F;
	_ =	sdelay $0x3  }
0x23a: {  	[tilespmem:$0x13F70] =	vst v5  }
0x23b: {  	vm3 =	vgt.s32 v7, $0x0;
	v5 =	vld.idx.msk [tilespmem:v6+s12+$0x0], $0xffff  }
0x23c: {  	v6 =	vnsel vm3, $0x0, v7;
	v7 =	vld [tilespmem:$0x139F0]  }
0x23d: {  	v6 =	vmin.u32 v6, $0x4E1F;
	_ =	sdelay $0x3  }
0x23e: {  	[tilespmem:$0x13F80] =	vst v5;
	vm3 =	vgt.s32 v7, $0x0  }
0x23f: {  	v5 =	vld.idx.msk [tilespmem:v6+s12+$0x0], $0xffff;
	v6 =	vnsel vm3, $0x0, v7  }
0x240: {  	v7 =	vld [tilespmem:$0x13A00];
	v6 =	vmin.u32 v6, $0x4E1F;
	_ =	sdelay $0x3  }
0x241: {  	[tilespmem:$0x13F90] =	vst v5  }
0x242: {  	vm3 =	vgt.s32 v7, $0x0;
	v5 =	vld.idx.msk [tilespmem:v6+s12+$0x0], $0xffff  }
0x243: {  	v6 =	vnsel vm3, $0x0, v7;
	v7 =	vld [tilespmem:$0x13A10]  }
0x244: {  	v6 =	vmin.u32 v6, $0x4E1F;
	_ =	sdelay $0x3  }
0x245: {  	[tilespmem:$0x13FA0] =	vst v5;
	vm3 =	vgt.s32 v7, $0x0  }
0x246: {  	v5 =	vld.idx.msk [tilespmem:v6+s12+$0x0], $0xffff;
	v6 =	vnsel vm3, $0x0, v7  }
0x247: {  	v6 =	vmin.u32 v6, $0x4E1F;
	_ =	sdelay $0x3  }
0x248: {  	[tilespmem:$0x13FB0] =	vst v5  }
0x249: {  	v5 =	vld.idx.msk [tilespmem:v6+s12+$0x0], $0xffff;
	_ =	sdelay $0x4  }
0x24a: {  	[tilespmem:$0x13FC0] =	vst v5  }
0x24b: {  	_ =	swait.ge [sflag:s23], $0x4E20  }
0x24c: {  	[sflag:s23] =	ssyncset.done $0x0  }
0x24d: {  	[sflag:s23] =	ssyncadd.s32 $0xFFFFB1E0  }
0x24e: {  	v5 =	vld [tilespmem:$0x13950];
	_ =	sdelay $0x4  }
0x24f: {  	vm3 =	vgt.s32 v5, $0x0  }
0x250: {  	v6 =	vld [tilespmem:$0x13960];
	v5 =	vnsel vm3, $0x0, v5  }
0x251: {  	v5 =	vmin.u32 v5, $0x4E1F;
	_ =	sdelay $0x3  }
0x252: {  	v7 =	vld [tilespmem:$0x13970];
	vm3 =	vgt.s32 v6, $0x0  }
0x253: {  	v6 =	vnsel vm3, $0x0, v6;
	v5 =	vld.idx.msk [tilespmem:v5+s22+$0x0], $0xffff  }
0x254: {  	v6 =	vmin.u32 v6, $0x4E1F;
	_ =	sdelay $0x3  }
0x255: {  	vm3 =	vgt.s32 v7, $0x0;
	[tilespmem:$0x13FD0] =	vst v5  }
0x256: {  	v5 =	vld.idx.msk [tilespmem:v6+s22+$0x0], $0xffff;
	v6 =	vnsel vm3, $0x0, v7  }
0x257: {  	v7 =	vld [tilespmem:$0x13980];
	v6 =	vmin.u32 v6, $0x4E1F;
	_ =	sdelay $0x3  }
0x258: {  	[tilespmem:$0x13FE0] =	vst v5  }
0x259: {  	vm3 =	vgt.s32 v7, $0x0;
	v5 =	vld.idx.msk [tilespmem:v6+s22+$0x0], $0xffff  }
0x25a: {  	v6 =	vnsel vm3, $0x0, v7;
	v7 =	vld [tilespmem:$0x13990]  }
0x25b: {  	v6 =	vmin.u32 v6, $0x4E1F;
	_ =	sdelay $0x3  }
0x25c: {  	[tilespmem:$0x13FF0] =	vst v5;
	vm3 =	vgt.s32 v7, $0x0  }
0x25d: {  	v5 =	vld.idx.msk [tilespmem:v6+s22+$0x0], $0xffff;
	v6 =	vnsel vm3, $0x0, v7  }
0x25e: {  	v7 =	vld [tilespmem:$0x139A0];
	v6 =	vmin.u32 v6, $0x4E1F;
	_ =	sdelay $0x3  }
0x25f: {  	[tilespmem:$0x14000] =	vst v5  }
0x260: {  	vm3 =	vgt.s32 v7, $0x0;
	v5 =	vld.idx.msk [tilespmem:v6+s22+$0x0], $0xffff  }
0x261: {  	v6 =	vnsel vm3, $0x0, v7;
	v7 =	vld [tilespmem:$0x139B0]  }
0x262: {  	v6 =	vmin.u32 v6, $0x4E1F;
	_ =	sdelay $0x3  }
0x263: {  	[tilespmem:$0x14010] =	vst v5;
	vm3 =	vgt.s32 v7, $0x0  }
0x264: {  	v5 =	vld.idx.msk [tilespmem:v6+s22+$0x0], $0xffff;
	v6 =	vnsel vm3, $0x0, v7  }
0x265: {  	v7 =	vld [tilespmem:$0x139C0];
	v6 =	vmin.u32 v6, $0x4E1F;
	_ =	sdelay $0x3  }
0x266: {  	[tilespmem:$0x14020] =	vst v5  }
0x267: {  	vm3 =	vgt.s32 v7, $0x0;
	v5 =	vld.idx.msk [tilespmem:v6+s22+$0x0], $0xffff  }
0x268: {  	v6 =	vnsel vm3, $0x0, v7;
	v7 =	vld [tilespmem:$0x139D0]  }
0x269: {  	v6 =	vmin.u32 v6, $0x4E1F;
	_ =	sdelay $0x3  }
0x26a: {  	[tilespmem:$0x14030] =	vst v5;
	vm3 =	vgt.s32 v7, $0x0  }
0x26b: {  	v5 =	vld.idx.msk [tilespmem:v6+s22+$0x0], $0xffff;
	v6 =	vnsel vm3, $0x0, v7  }
0x26c: {  	v7 =	vld [tilespmem:$0x139E0];
	v6 =	vmin.u32 v6, $0x4E1F;
	_ =	sdelay $0x3  }
0x26d: {  	[tilespmem:$0x14040] =	vst v5  }
0x26e: {  	vm3 =	vgt.s32 v7, $0x0;
	v5 =	vld.idx.msk [tilespmem:v6+s22+$0x0], $0xffff  }
0x26f: {  	v6 =	vnsel vm3, $0x0, v7;
	v7 =	vld [tilespmem:$0x139F0]  }
0x270: {  	v6 =	vmin.u32 v6, $0x4E1F;
	_ =	sdelay $0x3  }
0x271: {  	[tilespmem:$0x14050] =	vst v5;
	vm3 =	vgt.s32 v7, $0x0  }
0x272: {  	v5 =	vld.idx.msk [tilespmem:v6+s22+$0x0], $0xffff;
	v6 =	vnsel vm3, $0x0, v7  }
0x273: {  	v7 =	vld [tilespmem:$0x13A00];
	v6 =	vmin.u32 v6, $0x4E1F;
	_ =	sdelay $0x3  }
0x274: {  	[tilespmem:$0x14060] =	vst v5  }
0x275: {  	vm3 =	vgt.s32 v7, $0x0;
	v5 =	vld.idx.msk [tilespmem:v6+s22+$0x0], $0xffff  }
0x276: {  	v6 =	vnsel vm3, $0x0, v7;
	v7 =	vld [tilespmem:$0x13A10]  }
0x277: {  	v6 =	vmin.u32 v6, $0x4E1F;
	_ =	sdelay $0x3  }
0x278: {  	[tilespmem:$0x14070] =	vst v5;
	vm3 =	vgt.s32 v7, $0x0  }
0x279: {  	v5 =	vld.idx.msk [tilespmem:v6+s22+$0x0], $0xffff;
	v6 =	vnsel vm3, $0x0, v7  }
0x27a: {  	v6 =	vmin.u32 v6, $0x4E1F;
	_ =	sdelay $0x3  }
0x27b: {  	[tilespmem:$0x14080] =	vst v5  }
0x27c: {  	v5 =	vld.idx.msk [tilespmem:v6+s22+$0x0], $0xffff;
	_ =	sdelay $0x4  }
0x27d: {  	s7 =	simm.s32 $0x0;
	[tilespmem:$0x14090] =	vst v5  }
0x27e: {  	v6 =	vld [tilespmem:s7+$0x13BC0];
	_ =	sdelay $0x2  }
0x27f: {  	v7 =	vld [tilespmem:s7+$0x13C90];
	_ =	sdelay $0x1  }
0x280: {  	v6 =	vmul.f32 $2.000000030e-01, v6;
	_ =	sdelay $0x1  }
0x281: {  	v5 =	vimm.s32 $0x0;
	v6 =	vmul.f32 $1.442695020e+00, v6  }
0x282: {  	s1 =	simm.s32 $0x10;
	[tilespmem:s7+$0x144B0] =	vst v5;
	v7 =	vmul.f32 $2.000000030e-01, v7  }
0x283: {  	v10 =	vld [tilespmem:s1+$0x13BC0];
	(erf) = vpow2.f32 v6  }
0x284: {  	v8 =	vld [tilespmem:s7+$0x13A20];
	v7 =	vmul.f32 $1.442695020e+00, v7  }
0x285: {  	v9 =	vld [tilespmem:s7+$0x13AF0]  }
0x286: {  	v11 =	vld [tilespmem:s1+$0x13C90];
	(erf) = vpow2.f32 v7  }
0x287: {  	v12 =	vld [tilespmem:s7+$0x13F00]  }
0x288: {  	[tilespmem:s1+$0x144B0] =	vst v5;
	v15 =	vld [tilespmem:s1+$0x13A20];
	v6 =	vmul.f32 $2.000000030e-01, v10  }
0x289: {  	v13 =	vld [tilespmem:s7+$0x13D60]  }
0x28a: {  	v14 =	vld [tilespmem:s7+$0x13E30];
	v6 =	vmul.f32 $1.442695020e+00, v6  }
0x28b: {  	s31 =	simm.s32 $0x20;
	v10 =	vmul.f32 $2.000000030e-01, v11;
	v7 =	vld [tilespmem:s7+$0x13FD0]  }
0x28c: {  	v17 =	vld [tilespmem:s31+$0x13BC0];
	v8 =	vmul.f32 $1.000000010e-01, v8;
	(erf) = vpow2.f32 v6;
	v11 =	vpop (erf)  }
0x28d: {  	v18 =	vld [tilespmem:s31+$0x13C90];
	v20 =	vmul.f32 v12, v11;
	v11 =	vmul.f32 $1.442695020e+00, v10  }
0x28e: {  	v16 =	vld [tilespmem:s1+$0x13AF0];
	v9 =	vmul.f32 $1.000000010e-01, v9  }
0x28f: {  	v19 =	vmul.f32 v12, v8;
	v6 =	vld [tilespmem:s1+$0x13F00];
	[tilespmem:s31+$0x144B0] =	vst v5;
	v10 =	vpop (erf);
	(erf) = vpow2.f32 v11  }
0x290: {  	v8 =	vld [tilespmem:s1+$0x13FD0];
	v9 =	vmul.f32 v7, v9;
	v21 =	vmul.f32 v7, v10  }
0x291: {  	v17 =	vmul.f32 $2.000000030e-01, v17;
	v7 =	vadd.f32 v19, v13;
	v12 =	vmul.f32 v20, v4  }
0x292: {  	v18 =	vmul.f32 $2.000000030e-01, v18;
	v10 =	vld [tilespmem:s1+$0x13D60];
	v13 =	vadd.f32 v9, v14;
	v19 =	vmul.f32 v21, v4  }
0x293: {  	v16 =	vmul.f32 $1.000000010e-01, v16;
	v22 =	vmul.f32 $1.442695020e+00, v17;
	v9 =	vld [tilespmem:s31+$0x13A20];
	v14 =	vsub.f32 v7, v12  }
0x294: {  	v17 =	vmul.f32 $1.442695020e+00, v18;
	v11 =	vld [tilespmem:s1+$0x13E30];
	v12 =	vmul.f32 $1.000000010e-01, v15;
	v15 =	vsub.f32 v13, v19  }
0x295: {  	s4 =	simm.s32 $0x30;
	v16 =	vmul.f32 v8, v16;
	(erf) = vpow2.f32 v22;
	v7 =	vld [tilespmem:s31+$0x13AF0];
	[tilespmem:s7+$0x140A0] =	vst v14  }
0x296: {  	s9 =	simm.s32 $0x100;
	v12 =	vmul.f32 v6, v12;
	v19 =	vadd.f32 v14, v20;
	v20 =	vpop (erf);
	v13 =	vld [tilespmem:s4+$0x13BC0];
	v18 =	vadd.f32 v15, v21;
	[tilespmem:s7+$0x14170] =	vst v15  }
.LBB2_27:
0x297: {  	(erf) = vpow2.f32 v17  }
0x298: {  	p0 =	sne.s32 s9, $0x300;
	v21 =	vld [tilespmem:s4+$0x13C90];
	v17 =	vpop (erf);
	[tilespmem:s7+$0x14240] =	vst v19;
	v14 =	vsub.f32 v19, v14;
	v15 =	vsub.f32 v18, v15;
	v19 =	vmul.f32 v6, v20  }
0x299: {  	v6 =	vld [tilespmem:s31+$0x13F00];
	v20 =	vmul.f32 v8, v17;
	[tilespmem:s7+$0x14310] =	vst v18;
	v17 =	vmul.f32 $1.000000010e-01, v9  }
0x29a: {  	[tilespmem:s4+$0x144B0] =	vst v5;
	v9 =	vadd.f32 v12, v10;
	v12 =	vmul.f32 v15, v14;
	v14 =	vmul.f32 v19, v4  }
0x29b: {  	v15 =	vadd.f32 v16, v11;
	v8 =	vld [tilespmem:s31+$0x13FD0];
	v16 =	vmul.f32 v20, v4;
	v22 =	vmul.f32 $1.000000010e-01, v7  }
.Ltmp23:
0x29c: {  	v13 =	vmul.f32 $2.000000030e-01, v13;
	v10 =	vld [tilespmem:s31+$0x13D60];
	[tilespmem:s7+$0x143E0] =	vst v12;
	(pc) =	sbr.rel @p0 .LBB2_27-.Ltmp23, $4  }
0x29d: {  	v14 =	vsub.f32 v9, v14;
	s7 =	smov.u32 s1;
	s1 =	smov.u32 s31;
	v18 =	vmul.f32 $2.000000030e-01, v21;
	v11 =	vld [tilespmem:s31+$0x13E30];
	v15 =	vsub.f32 v15, v16;
	s31 =	smov.u32 s4  }
0x29e: {  	v9 =	vld [tilespmem:s31+$0x13A20];
	v16 =	vmul.f32 $1.442695020e+00, v13;
	v12 =	vmul.f32 v6, v17  }
0x29f: {  	s4 =	sshra.s32 s9, $0x2;
	v19 =	vadd.f32 v14, v19;
	v7 =	vld [tilespmem:s31+$0x13AF0];
	v17 =	vmul.f32 $1.442695020e+00, v18;
	v18 =	vadd.f32 v15, v20;
	[tilespmem:s7+$0x140A0] =	vst v14  }
0x2a0: {  	s9 =	sadd.s32 $0x40, s9;
	v13 =	vld [tilespmem:s4+$0x13BC0];
	(erf) = vpow2.f32 v16;
	v16 =	vmul.f32 v8, v22;
	v20 =	vpop (erf);
	[tilespmem:s7+$0x14170] =	vst v15  }
0x2a1: {  	v21 =	vld [tilespmem:s4+$0x13C90]  }
0x2a2: {  	v14 =	vsub.f32 v19, v14;
	v15 =	vsub.f32 v18, v15  }
0x2a3: {  	[tilespmem:s7+$0x14240] =	vst v19;
	v39 =	vpop (erf);
	v6 =	vmul.f32 v6, v20;
	(erf) = vpow2.f32 v17  }
0x2a4: {  	v5 =	vimm.s32 $0x0;
	v22 =	vld [tilespmem:s31+$0x13F00];
	[tilespmem:s7+$0x14310] =	vst v18;
	v8 =	vmul.f32 v8, v39;
	v14 =	vmul.f32 v15, v14  }
0x2a5: {  	v10 =	vadd.f32 v12, v10;
	[tilespmem:s4+$0x144B0] =	vst v5;
	v42 =	vmul.f32 v6, v4;
	v13 =	vmul.f32 $2.000000030e-01, v13  }
0x2a6: {  	v11 =	vadd.f32 v16, v11;
	v40 =	vld [tilespmem:s31+$0x13FD0];
	v43 =	vmul.f32 v8, v4;
	v44 =	vmul.f32 $2.000000030e-01, v21  }
0x2a7: {  	v41 =	vld [tilespmem:s31+$0x13D60];
	[tilespmem:s7+$0x143E0] =	vst v14;
	v13 =	vmul.f32 $1.442695020e+00, v13  }
0x2a8: {  	v10 =	vsub.f32 v10, v42;
	v45 =	vld [tilespmem:s31+$0x13E30];
	v11 =	vsub.f32 v11, v43;
	v16 =	vmul.f32 $1.442695020e+00, v44  }
0x2a9: {  	v46 =	vld [tilespmem:s4+$0x13A20];
	(erf) = vpow2.f32 v13  }
0x2aa: {  	v47 =	vld [tilespmem:s4+$0x13AF0];
	v6 =	vadd.f32 v10, v6;
	[tilespmem:s1+$0x140A0] =	vst v10;
	v8 =	vadd.f32 v11, v8;
	(erf) = vpow2.f32 v16  }
0x2ab: {  	v9 =	vmul.f32 $1.000000010e-01, v9;
	[tilespmem:s1+$0x14170] =	vst v11  }
0x2ac: {  	[tilespmem:s1+$0x14240] =	vst v6;
	v6 =	vsub.f32 v6, v10;
	v48 =	vsub.f32 v8, v11  }
0x2ad: {  	v7 =	vmul.f32 $1.000000010e-01, v7;
	v9 =	vmul.f32 v22, v9;
	v50 =	vpop (erf);
	v49 =	vld [tilespmem:s4+$0x13F00];
	[tilespmem:s1+$0x14310] =	vst v8  }
0x2ae: {  	v51 =	vpop (erf);
	v13 =	vmul.f32 v22, v50;
	v52 =	vld [tilespmem:s4+$0x13FD0];
	v6 =	vmul.f32 v48, v6  }
0x2af: {  	v7 =	vmul.f32 v40, v7;
	v8 =	vmul.f32 v40, v51  }
0x2b0: {  	v9 =	vadd.f32 v9, v41;
	v53 =	vld [tilespmem:s4+$0x13D60];
	v12 =	vmul.f32 $1.000000010e-01, v46;
	v54 =	vmul.f32 v13, v4;
	[tilespmem:s1+$0x143E0] =	vst v6  }
0x2b1: {  	v14 =	vmul.f32 $1.000000010e-01, v47;
	v6 =	vadd.f32 v7, v45;
	v7 =	vmul.f32 v8, v4;
	v55 =	vld [tilespmem:s4+$0x13E30]  }
0x2b2: {  	v9 =	vsub.f32 v9, v54;
	v56 =	vpop (erf)  }
0x2b3: {  	v6 =	vsub.f32 v6, v7;
	v7 =	vmul.f32 v49, v12;
	v57 =	vmul.f32 v52, v14;
	v58 =	vpop (erf)  }
0x2b4: {  	v13 =	vadd.f32 v9, v13;
	v11 =	vmul.f32 v49, v56;
	v10 =	vmul.f32 v52, v58  }
0x2b5: {  	v8 =	vadd.f32 v6, v8;
	v7 =	vadd.f32 v7, v53  }
0x2b6: {  	v12 =	vadd.f32 v57, v55;
	v59 =	vmul.f32 v11, v4;
	v60 =	vmul.f32 v10, v4  }
0x2b7: {  	[tilespmem:s31+$0x140A0] =	vst v9;
	v9 =	vsub.f32 v13, v9;
	v61 =	vsub.f32 v8, v6  }
0x2b8: {  	[tilespmem:s31+$0x14170] =	vst v6;
	v6 =	vsub.f32 v7, v59;
	v7 =	vsub.f32 v12, v60  }
0x2b9: {  	[tilespmem:s31+$0x14240] =	vst v13;
	v9 =	vmul.f32 v61, v9  }
0x2ba: {  	[tilespmem:s31+$0x14310] =	vst v8;
	v62 =	vadd.f32 v6, v11;
	v10 =	vadd.f32 v7, v10  }
0x2bb: {  	[tilespmem:s31+$0x143E0] =	vst v9  }
0x2bc: {  	[tilespmem:s4+$0x140A0] =	vst v6;
	v6 =	vsub.f32 v62, v6;
	v63 =	vsub.f32 v10, v7  }
0x2bd: {  	[tilespmem:s4+$0x14170] =	vst v7  }
0x2be: {  	[tilespmem:s4+$0x14240] =	vst v62;
	v6 =	vmul.f32 v63, v6  }
0x2bf: {  	[tilespmem:s4+$0x14310] =	vst v10  }
0x2c0: {  	[tilespmem:s4+$0x143E0] =	vst v6  }
.LBB2_29:
0x2c1: {  	v6 =	vmov s12;
	_ =	sdelay $0x4  }
0x2c2: {  	v12 =	vld.idx.msk [tilespmem:v6+s20+$0x0], $0xffff  }
0x2c3: {  	v10 =	vld.idx.msk [tilespmem:v6+s24+$0x0], $0xffff;
	_ =	sdelay $0x2  }
0x2c4: {  	v7 =	vld.idx.msk [tilespmem:v6+s28+$0x0], $0xffff  }
0x2c5: {  	v11 =	vmul.u32 $0x5, v5;
	v8 =	vld.idx.msk [tilespmem:v6+s29+$0x0], $0xffff  }
0x2c6: {  	v9 =	vld.idx.msk [tilespmem:v6+s26+$0x0], $0xffff;
	vm3 =	vgt.f32 v12, $9.499999880e-01;
	vm4 =	veq.s32 v10, $0x0  }
0x2c7: {  	v11 =	vadd.s32 v2, v11;
	v10 =	vld.idx.msk [tilespmem:v6+s25+$0x0], $0xffff;
	vm3 =	vmand vm3, vm4;
	vm4 =	vmmov $0x1f  }
0x2c8: {  	vm5 =	vlt.s32 v11, $0x3EF;
	vm4 =	vmand vm3, vm4  }
0x2c9: {  	v13 =	vnsel vm5, $0x3EF, v11  }
0x2ca: {  	v11 =	vsel vm0, v8, v7  }
0x2cb: {  	v11 =	vsel vm1, v11, v9  }
0x2cc: {  	vm5 =	vmmov $0x1;
	v14 =	vsel vm2, v11, v10  }
0x2cd: {  	s9 =	sand.u32 $0x3FFFFFF0, s12;
	v12 =	vsel vm5, v12, v14  }
0x2ce: {  	s15 =	sadd.s32 $0x140A0, s9;
	v11 =	vld.idx.msk [tilespmem:v6+s30+$0x0], $0xffff;
	[tilespmem:v13+s13+$0x0] =	vst.idx.msk vm4, v12  }
0x2cf: {  	s1 =	sadd.s32 $0x14240, s9;
	v12 =	vld [tilespmem:s15+$0x0]  }
0x2d0: {  	s4 =	sadd.s32 $0x14170, s9;
	v13 =	vld [tilespmem:s1+$0x0]  }
0x2d1: {  	s7 =	sadd.s32 $0x14310, s9;
	v58 =	vld [tilespmem:s4+$0x0]  }
0x2d2: {  	v15 =	vld [tilespmem:s7+$0x0];
	_ =	sdelay $0x2  }
0x2d3: {  	s31 =	sadd.s32 $0x143E0, s9  }
0x2d4: {  	v16 =	vld [tilespmem:s31+$0x0];
	v12 =	vmax.f32 v12, v10  }
0x2d5: {  	v14 =	vmax.f32 v58, v9;
	v13 =	vmin.f32 v13, v7;
	v15 =	vmin.f32 v15, v8  }
0x2d6: {  	v12 =	vsub.f32 v13, v12;
	v59 =	vsub.f32 v15, v14;
	_ =	sdelay $0x1  }
0x2d7: {  	v12 =	vmax.f32 v12, $0.0e+00;
	v13 =	vmax.f32 v59, $0.0e+00  }
0x2d8: {  	v60 =	vadd.f32 v16, v11;
	v12 =	vmul.f32 v13, v12;
	_ =	sdelay $0x1  }
0x2d9: {  	v13 =	vsub.f32 v60, v12;
	_ =	sdelay $0x1  }
0x2da: {  	(erf) = vrcp.f32 v13;
	_ =	sdelay $0x8  }
0x2db: {  	s11 =	sshrl.u32 s12, $0x4;
	v13 =	vpop (erf)  }
0x2dc: {  	s9 =	sadd.s32 $0x144B0, s9;
	s11 =	sadd.s32 $0xFFFFFFFF, s11;
	v12 =	vmul.f32 v13, v12  }
0x2dd: {  	s10 =	sand.u32 $0xFFFFFFF0, s12;
	s11 =	sadd.s32 $0x1, s11;
	v61 =	vld [tilespmem:s9+$0x0]  }
0x2de: {  	v62 =	vor.u32 s10, v2;
	p0 =	slt.u32 s11, $0xC;
	vm4 =	vle.f32 v12, $4.499999880e-01  }
.Ltmp24:
0x2df: {  	vm5 =	vgt.u32 v62, v6;
	vm4 =	vmneg vm4;
	(pc) =	sbr.rel @!p0 .LBB2_31-.Ltmp24, $4  }
0x2e0: {  	vm4 =	vmand vm5, vm4  }
0x2e1: {  	vm4 =	vmand vm3, vm4  }
0x2e2: {  	v63 =	vsel vm3, $0x1, v1;
	v13 =	vsel vm4, $0x1, v61  }
0x2e3: {  	v5 =	vadd.s32 v63, v5;
	s15 =	sadd.s32 $0x10, s15;
	[tilespmem:s9+$0x0] =	vst v13  }
.LBB2_30:
0x2e4: {  	v12 =	vld [tilespmem:s15+$0x0];
	s1 =	sadd.s32 $0x10, s1  }
0x2e5: {  	s4 =	sadd.s32 $0x10, s4;
	v13 =	vld [tilespmem:s1+$0x0]  }
0x2e6: {  	s7 =	sadd.s32 $0x10, s7;
	v14 =	vld [tilespmem:s4+$0x0]  }
0x2e7: {  	s11 =	sadd.s32 $0x1, s11;
	v15 =	vld [tilespmem:s7+$0x0]  }
0x2e8: {  	p0 =	slt.u32 s11, $0xC;
	_ =	sdelay $0x1  }
0x2e9: {  	s31 =	sadd.s32 $0x10, s31  }
0x2ea: {  	v12 =	vmax.f32 v12, v10;
	v16 =	vld [tilespmem:s31+$0x0]  }
0x2eb: {  	v13 =	vmin.f32 v13, v7;
	v14 =	vmax.f32 v14, v9;
	v15 =	vmin.f32 v15, v8  }
0x2ec: {  	v12 =	vsub.f32 v13, v12;
	v13 =	vsub.f32 v15, v14;
	_ =	sdelay $0x1  }
0x2ed: {  	v12 =	vmax.f32 v12, $0.0e+00;
	v13 =	vmax.f32 v13, $0.0e+00  }
0x2ee: {  	v12 =	vmul.f32 v13, v12;
	v13 =	vadd.f32 v16, v11;
	_ =	sdelay $0x1  }
0x2ef: {  	v13 =	vsub.f32 v13, v12;
	_ =	sdelay $0x1  }
0x2f0: {  	(erf) = vrcp.f32 v13;
	_ =	sdelay $0x8  }
0x2f1: {  	v13 =	vpop (erf)  }
0x2f2: {  	s9 =	sadd.s32 $0x10, s9;
	v12 =	vmul.f32 v13, v12  }
0x2f3: {  	s10 =	sadd.s32 $0x10, s10;
	v13 =	vld [tilespmem:s9+$0x0]  }
0x2f4: {  	v14 =	vor.u32 s10, v2;
	vm4 =	vle.f32 v12, $4.499999880e-01  }
.Ltmp25:
0x2f5: {  	vm5 =	vgt.u32 v14, v6;
	vm4 =	vmneg vm4;
	(pc) =	sbr.rel @p0 .LBB2_30-.Ltmp25, $4  }
0x2f6: {  	vm4 =	vmand vm5, vm4  }
0x2f7: {  	vm4 =	vmand vm3, vm4  }
0x2f8: {  	v12 =	vsel vm4, $0x1, v13  }
0x2f9: {  	s15 =	sadd.s32 $0x10, s15;
	[tilespmem:s9+$0x0] =	vst v12  }
.LBB2_31:
0x2fa: {  	s12 =	sadd.s32 $0x1, s12  }
0x2fb: {  	p0 =	sne.s32 s12, $0xC8  }
.Ltmp26:
0x2fc: {  	_ = 	snop;
	(pc) =	sbr.rel @p0 .LBB2_29-.Ltmp26, $4  }
.Ltmp27:
0x2fd: {  	_ = 	snop;
	(pc) =	sbr.rel @!p0 .LBB2_32-.Ltmp27, $4  }
0x2fe: {  	_ = 	snop  }
0x2ff: {  	_ = 	snop  }
0x300: {  	_ = 	snop  }
0x301: {  	_ = 	snop  }
.LBB2_35:
0x302: {  	_ =	sfence.sel $0x180000  }
0x303: {  	[bflag:$0x0] =	sbarrier.arrive $0xFFFF  }
0x304: {  	_ =	strace $0x90000047  }
0x305: {  	s0 =	stileid.u32;
	[bflag:$0x2] =	sbarrier.arrive $0xFFFF  }
0x306: {  	p0 =	sne.s32 s0, $0x0;
	s0 =	rddreg [dreg:$0x2]  }
0x307: {  	s0 =	sadd.s32 @!p0 $0x100000, s0  }
0x308: {  	[sflag:s0] =	ssyncadd.tile.s32 @!p0 $0x1;
	_ =	shalt  }
.Lfunc_end2:
_tile_overlayer_lowered:
.L_overlay_start_2:
0x309: {  	(tag) =	ssettag $0x2  }
0x30a: {  	s0 =	rddreg [dreg:$0x0];
	s2 =	stileid.u32  }
0x30b: {  	s1 =	rddreg [dreg:$0x1];
	p0 =	sne.s32 s2, $0x0  }
0x30c: {  	s3 =	rddreg [dreg:$0x2];
	[bflag:$0x3] =	sbarrier.arrive $0xFFFF;
	s2 =	simm.s32 @!p0 $0x1C03  }
0x30d: {  	[timem:s3], [sflag:s2] =	dma.local @!p0 [hbm:s0], s1  }
0x30e: {  	s0 =	simm.s32 @!p0 $0x3  }
0x30f: {  	_ =	swait.ge @!p0 [sflag:s0], s1  }
0x310: {  	s1 =	ssub.s32 @!p0 $0x0, s1;
	[sflag:s0] =	ssyncset.done @!p0 $0x0  }
0x311: {  	[sflag:s0] =	ssyncadd.s32 @!p0 s1  }
0x312: {  	[bflag:$0x3] =	sbarrier.arrive $0xFFFF  }
0x313: {  	_ =	shalt  }

</sc_bundles>
